<compile_context>
chip_gen: v7x
topology: tpu7x:2x2x1
jax: 0.10.2.dev20260603
libtpu: 0.0.44.dev20260713+nightly
codegen_flags: <defaults>
</compile_context>

<pallas_src>
import functools

import jax
import jax.numpy as jnp
from jax import lax
from jax.experimental import pallas as pl
from jax.experimental.pallas import tpu as pltpu
from jax.experimental.pallas import tpu_sc as plsc

OUT = 7
C = 256
NLANE = 16
NWORKERS = 32


def _dg(v, idx):
    return lax.gather(
        v,
        idx[:, None],
        dimension_numbers=lax.GatherDimensionNumbers(
            offset_dims=(), collapsed_slice_dims=(0,), start_index_map=(0,)
        ),
        slice_sizes=(1,),
        mode=lax.GatherScatterMode.PROMISE_IN_BOUNDS,
    )


def _splat(x):
    return jnp.full((NLANE,), x, dtype=jnp.int32)


def _make_run(n_rois, rows_total):
    rpw = n_rois // NWORKERS
    mesh = plsc.VectorSubcoreMesh(core_axis_name="c", subcore_axis_name="s")

    @functools.partial(
        pl.kernel,
        mesh=mesh,
        out_type=jax.ShapeDtypeStruct((n_rois, OUT, OUT, C), jnp.float32),
        scratch_types=[
            pltpu.VMEM((rpw, NLANE), jnp.float32),
            pltpu.VMEM((rpw, NLANE), jnp.int32),
            pltpu.VMEM((OUT, 2, NLANE, C), jnp.float32),
            pltpu.VMEM((OUT, OUT, C), jnp.float32),
            pltpu.SemaphoreType.DMA,
        ],
    )
    def run(table_h, pf_h, pi_h, out_h, pf_v, pi_v, gbuf, obuf, gsem):
        wid = lax.axis_index("s") * 2 + lax.axis_index("c")
        roi0 = wid * rpw
        pltpu.sync_copy(pf_h.at[pl.ds(roi0, rpw)], pf_v)
        pltpu.sync_copy(pi_h.at[pl.ds(roi0, rpw)], pi_v)

        iota = lax.iota(jnp.int32, NLANE)
        iota_f = iota.astype(jnp.float32)
        shift7 = jnp.maximum(iota - 7, 0)

        def roi_body(r, carry):
            pfv = pf_v[r]
            piv = pi_v[r]
            ay = pfv[0]
            dy = pfv[1]
            ax = pfv[2]
            dx = pfv[3]
            hm1f = pfv[4]
            base = piv[0]
            fw = piv[1]
            hm1 = piv[2]

            ys = ay + iota_f * dy
            my = jnp.where((ys >= 0.0) & (ys <= hm1f), 1.0, 0.0)
            ysc = jnp.clip(ys, 0.0, hm1f)
            y0 = ysc.astype(jnp.int32)
            wy = ysc - y0.astype(jnp.float32)
            yp = jnp.minimum(y0 + 1, hm1)

            xs = ax + iota_f * dx
            mx = jnp.where((xs >= 0.0) & (xs <= hm1f), 1.0, 0.0)
            xsc = jnp.clip(xs, 0.0, hm1f)
            x0 = xsc.astype(jnp.int32)
            wx = xsc - x0.astype(jnp.float32)
            xp = jnp.minimum(x0 + 1, hm1)

            xcomb = jnp.where(iota < 7, x0, _dg(xp, shift7))
            rb0 = base + y0 * fw
            rb1 = base + yp * fw

            copies = []
            for i in range(OUT):
                si = _splat(i)
                idx0 = _dg(rb0, si) + xcomb
                idx1 = _dg(rb1, si) + xcomb
                copies.append(pltpu.async_copy(table_h.at[idx0], gbuf.at[i, 0], gsem))
                copies.append(pltpu.async_copy(table_h.at[idx1], gbuf.at[i, 1], gsem))
            for cp in copies:
                cp.wait()

            def row_body(i, carry_i):
                sI = _splat(i)
                wyi = _dg(wy, sI)
                myi = _dg(my, sI)
                w0y = (1.0 - wyi) * myi
                w1y = wyi * myi
                w00v = (1.0 - wx) * mx * w0y
                w01v = wx * mx * w0y
                w10v = (1.0 - wx) * mx * w1y
                w11v = wx * mx * w1y

                def col_body(j, carry_j):
                    sj = _splat(j)
                    c00 = _dg(w00v, sj)
                    c01 = _dg(w01v, sj)
                    c10 = _dg(w10v, sj)
                    c11 = _dg(w11v, sj)
                    for ch in range(C // NLANE):
                        sl = pl.ds(ch * NLANE, NLANE)
                        va = gbuf[i, 0, j, sl]
                        vb = gbuf[i, 0, j + 7, sl]
                        vc = gbuf[i, 1, j, sl]
                        vd = gbuf[i, 1, j + 7, sl]
                        obuf[i, j, sl] = va * c00 + vb * c01 + vc * c10 + vd * c11
                    return carry_j

                lax.fori_loop(0, OUT, col_body, 0)
                return carry_i

            lax.fori_loop(0, OUT, row_body, 0)
            pltpu.sync_copy(obuf, out_h.at[roi0 + r])
            return carry

        lax.fori_loop(0, rpw, roi_body, 0)

    return run


def kernel(fm_p2, fm_p3, fm_p4, fm_p5, rois, valid_mask, roi_size_pred):
    del valid_mask, roi_size_pred
    B, N = rois.shape[0], rois.shape[1]
    fms = (fm_p2, fm_p3, fm_p4, fm_p5)
    sizes = [fm.shape[1] * fm.shape[2] for fm in fms]
    rows_per_b = sum(sizes)
    offs = [0]
    for s in sizes[:-1]:
        offs.append(offs[-1] + s)

    table = jnp.concatenate(
        [fm.reshape(B, -1, C) for fm in fms], axis=1
    ).reshape(-1, C)

    x1 = rois[..., 0]
    y1 = rois[..., 1]
    x2 = rois[..., 2]
    y2 = rois[..., 3]
    area = (x2 - x1) * (y2 - y1)
    lv = jnp.log(jnp.sqrt(jnp.maximum(area, 1e-12)) / 224.0) / jnp.log(2.0) + 4.0
    lv = jnp.clip(jnp.round(lv).astype(jnp.int32), 2, 5)

    stride = jnp.exp2(lv.astype(jnp.float32))
    fmhw = fm_p2.shape[1] * 4.0 / stride
    hm1f = fmhw - 1.0
    y1n = (y1 * (1.0 / stride)) / fmhw
    y2n = (y2 * (1.0 / stride)) / fmhw
    x1n = (x1 * (1.0 / stride)) / fmhw
    x2n = (x2 * (1.0 / stride)) / fmhw
    ay = y1n * hm1f
    dy = (y2n - y1n) * hm1f / (OUT - 1.0)
    ax = x1n * hm1f
    dx = (x2n - x1n) * hm1f / (OUT - 1.0)

    fw = fmhw.astype(jnp.int32)
    hm1i = fw - 1
    boff = jnp.arange(B, dtype=jnp.int32)[:, None] * rows_per_b
    base = jnp.asarray(offs, dtype=jnp.int32)[lv - 2] + boff

    zf = jnp.zeros_like(ay)
    zi = jnp.zeros_like(fw)
    pf = jnp.stack([ay, dy, ax, dx, hm1f] + [zf] * 11, axis=-1).reshape(B * N, NLANE)
    pi = jnp.stack([base, fw, hm1i] + [zi] * 13, axis=-1).reshape(B * N, NLANE)

    run = _make_run(B * N, table.shape[0])
    out = run(table, pf, pi)
    return out.reshape(B, N, OUT, OUT, C).astype(jnp.float16)

# --- scband reference (transcript-rebuilt; emitter-appended) ---
"""Pipeline reference for scband-roialign-43052752175654 (READ-ONLY COPY).

The authoritative reference and input builder live on the scoring server;
editing this copy changes nothing except your own understanding.
"""

import jax, jax.numpy as jnp
import numpy as np

OUTPUT_SIZE = 7
STRIDES = [4, 8, 16, 32]
FEATURE_SIZE = 256
B = 2
N_ROIS = 512
IMG = 512


def crop_and_resize(image, boxes, crop_size):
    # image: [H, W, C]; boxes: [N, 4] normalized (y1, x1, y2, x2)
    # faithful to tf.image.crop_and_resize bilinear with extrapolation_value=0
    H, W, C = image.shape
    y1 = boxes[:, 0]; x1 = boxes[:, 1]; y2 = boxes[:, 2]; x2 = boxes[:, 3]
    idx = jnp.arange(crop_size, dtype=jnp.float32)
    hs = (y2 - y1) * (H - 1) / (crop_size - 1)
    ws = (x2 - x1) * (W - 1) / (crop_size - 1)
    ys = y1[:, None] * (H - 1) + idx[None, :] * hs[:, None]   # [N, cs]
    xs = x1[:, None] * (W - 1) + idx[None, :] * ws[:, None]   # [N, cs]
    vy = (ys >= 0.0) & (ys <= H - 1.0)
    vx = (xs >= 0.0) & (xs <= W - 1.0)
    ysc = jnp.clip(ys, 0.0, H - 1.0)
    xsc = jnp.clip(xs, 0.0, W - 1.0)
    y0f = jnp.floor(ysc); x0f = jnp.floor(xsc)
    y0 = jnp.clip(y0f.astype(jnp.int32), 0, H - 1)
    x0 = jnp.clip(x0f.astype(jnp.int32), 0, W - 1)
    yp = jnp.clip(y0 + 1, 0, H - 1)
    xp = jnp.clip(x0 + 1, 0, W - 1)
    wy = (ysc - y0f)[:, :, None, None]   # [N, cs, 1, 1]
    wx = (xsc - x0f)[:, None, :, None]   # [N, 1, cs, 1]
    a = image[y0[:, :, None], x0[:, None, :]]   # [N, cs, cs, C]
    b = image[y0[:, :, None], xp[:, None, :]]
    c = image[yp[:, :, None], x0[:, None, :]]
    d = image[yp[:, :, None], xp[:, None, :]]
    top = a + (b - a) * wx
    bot = c + (d - c) * wx
    out = top + (bot - top) * wy
    valid = (vy[:, :, None] & vx[:, None, :]).astype(out.dtype)[..., None]
    return out * valid


def roi_align_per_image(fms, rois):
    x1 = rois[:, 0]; y1 = rois[:, 1]; x2 = rois[:, 2]; y2 = rois[:, 3]
    roi_h = y2 - y1
    roi_w = x2 - x1
    roi_area = roi_h * roi_w
    levels = jnp.log(jnp.sqrt(jnp.maximum(roi_area, 1e-12)) / 224.0) / jnp.log(2.0) + 4.0
    levels = jnp.clip(jnp.round(levels).astype(jnp.int32), 2, 5)
    C = fms[0].shape[-1]
    out = jnp.zeros((rois.shape[0], OUTPUT_SIZE, OUTPUT_SIZE, C), jnp.float32)
    for i, stride in enumerate(STRIDES):
        fm = fms[i]
        fm_h = float(fm.shape[0]); fm_w = float(fm.shape[1])
        b = rois * (1.0 / stride)
        nb = jnp.stack([b[:, 1] / fm_h, b[:, 0] / fm_w, b[:, 3] / fm_h, b[:, 2] / fm_w], axis=1)
        feats = crop_and_resize(fm, nb, OUTPUT_SIZE)
        mask = (levels == (i + 2)).astype(jnp.float32)[:, None, None, None]
        out = out + mask * feats
    return out.astype(jnp.float16)


def setup_inputs(seed: int = 0):
    key = jax.random.key(seed)
    k1, k2, k3, k4, k5, k6, k7, k8 = jax.random.split(key, 8)
    fm_p2 = jax.random.normal(k1, (B, IMG // 4, IMG // 4, FEATURE_SIZE), dtype=jnp.float32)
    fm_p3 = jax.random.normal(k2, (B, IMG // 8, IMG // 8, FEATURE_SIZE), dtype=jnp.float32)
    fm_p4 = jax.random.normal(k3, (B, IMG // 16, IMG // 16, FEATURE_SIZE), dtype=jnp.float32)
    fm_p5 = jax.random.normal(k4, (B, IMG // 32, IMG // 32, FEATURE_SIZE), dtype=jnp.float32)
    x1 = jax.random.uniform(k5, (B, N_ROIS), minval=0.0, maxval=256.0)
    y1 = jax.random.uniform(k6, (B, N_ROIS), minval=0.0, maxval=256.0)
    w = jax.random.uniform(k7, (B, N_ROIS), minval=16.0, maxval=256.0)
    h = jax.random.uniform(k8, (B, N_ROIS), minval=16.0, maxval=256.0)
    rois = jnp.stack([x1, y1, x1 + w, y1 + h], axis=-1)
    valid_mask = jnp.ones((B, N_ROIS), dtype=bool)
    return {"fm_p2": fm_p2, "fm_p3": fm_p3, "fm_p4": fm_p4, "fm_p5": fm_p5,
            "rois": rois, "valid_mask": valid_mask, "roi_size_pred": N_ROIS}


def reference(fm_p2, fm_p3, fm_p4, fm_p5, rois, valid_mask, roi_size_pred):
    del valid_mask, roi_size_pred  # carried by the original call signature, unused in math
    outs = []
    for b in range(rois.shape[0]):
        outs.append(roi_align_per_image((fm_p2[b], fm_p3[b], fm_p4[b], fm_p5[b]), rois[b]))
    return jnp.stack(outs, axis=0)

if __name__ == "__main__":
    import jax
    _d = setup_inputs()
    print(jax.jit(kernel)(*tuple(_d.values())))

</pallas_src>

<mosaic_0001>
#map = affine_map<(d0, d1) -> (0, 0)>
#map1 = affine_map<(d0, d1) -> (0, 0, 0, 0)>
module attributes {stable_mosaic.version = 14 : i64} {
  func.func @run(%arg0: i32, %arg1: i32, %arg2: memref<43520x256xf32, #tpu.memory_space<hbm>>, %arg3: memref<1024x16xf32, #tpu.memory_space<hbm>>, %arg4: memref<1024x16xi32, #tpu.memory_space<hbm>>, %arg5: memref<1024x7x7x256xf32, #tpu.memory_space<hbm>>, %arg6: memref<32x16xf32, #tpu.memory_space<vmem>>, %arg7: memref<32x16xi32, #tpu.memory_space<vmem>>, %arg8: memref<7x2x16x256xf32, #tpu.memory_space<vmem>>, %arg9: memref<7x7x256xf32, #tpu.memory_space<vmem>>, %arg10: memref<!tpu.dma_semaphore, #tpu.memory_space<semaphore_mem>>) attributes {dimension_semantics = [#tpu.dimension_semantics<core_parallel>, #tpu.dimension_semantics<subcore_parallel>], iteration_bounds = array<i64: 2, 16>, scalar_prefetch = 0 : i64, scratch_operands = 5 : i64, tpu.core_type = #tpu.core_type<sc_vector_subcore>, window_params = [{transform_indices = #map}, {transform_indices = #map}, {transform_indices = #map}, {transform_indices = #map1}]} {
    %mul3A = arith.constant 2 : i32
    %mul3A_0 = arith.muli %arg1, %mul3A : i32
    %add3A = arith.addi %mul3A_0, %arg0 : i32
    %mul3A_1 = arith.constant 32 : i32
    %mul3A_2 = arith.muli %add3A, %mul3A_1 : i32
    "tpu.region"() ({
      %run_scoped3A = tpu.sem_alloc : memref<!tpu.dma_semaphore, #tpu.memory_space<semaphore_mem>>
      %dma_start3A = arith.constant 0 : i32
      %dma_start3A_12 = tpu.memref_slice %arg3[%mul3A_2, %dma_start3A] : memref<1024x16xf32, #tpu.memory_space<hbm>> -> memref<32x16xf32, #tpu.memory_space<hbm>>
      %dma_start3A_13 = arith.constant 0 : i32
      %dma_start3A_14 = tpu.memref_slice %arg3[%mul3A_2, %dma_start3A_13] : memref<1024x16xf32, #tpu.memory_space<hbm>> -> memref<32x16xf32, #tpu.memory_space<hbm>>
      tpu.enqueue_dma source(%dma_start3A_14 : memref<32x16xf32, #tpu.memory_space<hbm>>) target(%arg6 : memref<32x16xf32, #tpu.memory_space<vmem>>) target_semaphore(%run_scoped3A : memref<!tpu.dma_semaphore, #tpu.memory_space<semaphore_mem>>)
      %dma_wait3A = arith.constant 0 : i32
      %dma_wait3A_15 = tpu.memref_slice %arg3[%mul3A_2, %dma_wait3A] : memref<1024x16xf32, #tpu.memory_space<hbm>> -> memref<32x16xf32, #tpu.memory_space<hbm>>
      %dma_wait3A_16 = arith.constant 0 : i32
      %dma_wait3A_17 = tpu.memref_slice %arg3[%mul3A_2, %dma_wait3A_16] : memref<1024x16xf32, #tpu.memory_space<hbm>> -> memref<32x16xf32, #tpu.memory_space<hbm>>
      tpu.wait_dma2 semaphore(%run_scoped3A : memref<!tpu.dma_semaphore, #tpu.memory_space<semaphore_mem>>) src(%dma_wait3A_17 : memref<32x16xf32, #tpu.memory_space<hbm>>) dst(%arg6 : memref<32x16xf32, #tpu.memory_space<vmem>>)
      tpu.yield
    }) : () -> ()
    "tpu.region"() ({
      %run_scoped3A = tpu.sem_alloc : memref<!tpu.dma_semaphore, #tpu.memory_space<semaphore_mem>>
      %dma_start3A = arith.constant 0 : i32
      %dma_start3A_12 = tpu.memref_slice %arg4[%mul3A_2, %dma_start3A] : memref<1024x16xi32, #tpu.memory_space<hbm>> -> memref<32x16xi32, #tpu.memory_space<hbm>>
      %dma_start3A_13 = arith.constant 0 : i32
      %dma_start3A_14 = tpu.memref_slice %arg4[%mul3A_2, %dma_start3A_13] : memref<1024x16xi32, #tpu.memory_space<hbm>> -> memref<32x16xi32, #tpu.memory_space<hbm>>
      tpu.enqueue_dma source(%dma_start3A_14 : memref<32x16xi32, #tpu.memory_space<hbm>>) target(%arg7 : memref<32x16xi32, #tpu.memory_space<vmem>>) target_semaphore(%run_scoped3A : memref<!tpu.dma_semaphore, #tpu.memory_space<semaphore_mem>>)
      %dma_wait3A = arith.constant 0 : i32
      %dma_wait3A_15 = tpu.memref_slice %arg4[%mul3A_2, %dma_wait3A] : memref<1024x16xi32, #tpu.memory_space<hbm>> -> memref<32x16xi32, #tpu.memory_space<hbm>>
      %dma_wait3A_16 = arith.constant 0 : i32
      %dma_wait3A_17 = tpu.memref_slice %arg4[%mul3A_2, %dma_wait3A_16] : memref<1024x16xi32, #tpu.memory_space<hbm>> -> memref<32x16xi32, #tpu.memory_space<hbm>>
      tpu.wait_dma2 semaphore(%run_scoped3A : memref<!tpu.dma_semaphore, #tpu.memory_space<semaphore_mem>>) src(%dma_wait3A_17 : memref<32x16xi32, #tpu.memory_space<hbm>>) dst(%arg7 : memref<32x16xi32, #tpu.memory_space<vmem>>)
      tpu.yield
    }) : () -> ()
    %iota3A = tpu.iota {dimensions = array<i32: 0>} : vector<16xi32>
    %convert_element_type3A = arith.sitofp %iota3A : vector<16xi32> to vector<16xf32>
    %sub3A = arith.constant 7 : i32
    %sub3A_3 = vector.broadcast %sub3A : i32 to vector<16xi32>
    %sub3A_4 = arith.subi %iota3A, %sub3A_3 : vector<16xi32>
    %max3A = arith.constant 0 : i32
    %max3A_5 = vector.broadcast %max3A : i32 to vector<16xi32>
    %max3A_6 = arith.maxsi %sub3A_4, %max3A_5 : vector<16xi32>
    %scan3A = arith.constant 0 : i32
    %scan3A_7 = arith.constant 0 : i32
    %scan3A_8 = arith.constant 32 : i32
    %scan3A_9 = arith.addi %scan3A_7, %scan3A_8 : i32
    %scan3A_10 = arith.constant 1 : i32
    scf.for %scan3A_12 = %scan3A_7 to %scan3A_9 step %scan3A_10  : i32 {
      %get3A = arith.index_cast %scan3A_12 : i32 to index
      %get3A_13 = arith.constant 0 : index
      %get3A_14 = tpu.vector_load %arg6[%get3A, %get3A_13] {strides = array<i32>} : memref<32x16xf32, #tpu.memory_space<vmem>>, vector<1x16xf32>,
      %get3A_15 = vector.shape_cast %get3A_14 : vector<1x16xf32> to vector<16xf32>
      %get3A_16 = arith.index_cast %scan3A_12 : i32 to index
      %get3A_17 = arith.constant 0 : index
      %get3A_18 = tpu.vector_load %arg7[%get3A_16, %get3A_17] {strides = array<i32>} : memref<32x16xi32, #tpu.memory_space<vmem>>, vector<1x16xi32>,
      %get3A_19 = vector.shape_cast %get3A_18 : vector<1x16xi32> to vector<16xi32>
      %slice3A = vector.extract_strided_slice %get3A_15 {offsets = [0], sizes = [1], strides = [1]} : vector<16xf32> to vector<1xf32>
      %squeeze3A = vector.extract %slice3A[0] : f32 from vector<1xf32>
      %slice3A_20 = vector.extract_strided_slice %get3A_15 {offsets = [1], sizes = [1], strides = [1]} : vector<16xf32> to vector<1xf32>
      %squeeze3A_21 = vector.extract %slice3A_20[0] : f32 from vector<1xf32>
      %slice3A_22 = vector.extract_strided_slice %get3A_15 {offsets = [2], sizes = [1], strides = [1]} : vector<16xf32> to vector<1xf32>
      %squeeze3A_23 = vector.extract %slice3A_22[0] : f32 from vector<1xf32>
      %slice3A_24 = vector.extract_strided_slice %get3A_15 {offsets = [3], sizes = [1], strides = [1]} : vector<16xf32> to vector<1xf32>
      %squeeze3A_25 = vector.extract %slice3A_24[0] : f32 from vector<1xf32>
      %slice3A_26 = vector.extract_strided_slice %get3A_15 {offsets = [4], sizes = [1], strides = [1]} : vector<16xf32> to vector<1xf32>
      %squeeze3A_27 = vector.extract %slice3A_26[0] : f32 from vector<1xf32>
      %slice3A_28 = vector.extract_strided_slice %get3A_19 {offsets = [0], sizes = [1], strides = [1]} : vector<16xi32> to vector<1xi32>
      %squeeze3A_29 = vector.extract %slice3A_28[0] : i32 from vector<1xi32>
      %slice3A_30 = vector.extract_strided_slice %get3A_19 {offsets = [1], sizes = [1], strides = [1]} : vector<16xi32> to vector<1xi32>
      %squeeze3A_31 = vector.extract %slice3A_30[0] : i32 from vector<1xi32>
      %slice3A_32 = vector.extract_strided_slice %get3A_19 {offsets = [2], sizes = [1], strides = [1]} : vector<16xi32> to vector<1xi32>
      %squeeze3A_33 = vector.extract %slice3A_32[0] : i32 from vector<1xi32>
      %mul3A_34 = vector.broadcast %squeeze3A_21 : f32 to vector<16xf32>
      %mul3A_35 = arith.mulf %convert_element_type3A, %mul3A_34 : vector<16xf32>
      %add3A_36 = vector.broadcast %squeeze3A : f32 to vector<16xf32>
      %add3A_37 = arith.addf %add3A_36, %mul3A_35 : vector<16xf32>
      %ge3A = arith.constant 0.000000e+00 : f32
      %ge3A_38 = vector.broadcast %ge3A : f32 to vector<16xf32>
      %ge3A_39 = arith.cmpf oge, %add3A_37, %ge3A_38 : vector<16xf32>
      %le3A = vector.broadcast %squeeze3A_27 : f32 to vector<16xf32>
      %le3A_40 = arith.cmpf ole, %add3A_37, %le3A : vector<16xf32>
      %and3A = arith.andi %ge3A_39, %le3A_40 : vector<16xi1>
      %jit3A = arith.constant 1.000000e+00 : f32
      %jit3A_41 = arith.constant 0.000000e+00 : f32
      %broadcast_in_dim3A = vector.broadcast %jit3A : f32 to vector<16xf32>
      %broadcast_in_dim3A_42 = vector.broadcast %jit3A_41 : f32 to vector<16xf32>
      %select_n3A = arith.select %and3A, %broadcast_in_dim3A, %broadcast_in_dim3A_42 : vector<16xi1>, vector<16xf32>
      %jit3A_43 = arith.constant 0.000000e+00 : f32
      %max3A_44 = vector.broadcast %jit3A_43 : f32 to vector<16xf32>
      %max3A_45 = arith.maximumf %max3A_44, %add3A_37 : vector<16xf32>
      %min3A = vector.broadcast %squeeze3A_27 : f32 to vector<16xf32>
      %min3A_46 = arith.minimumf %min3A, %max3A_45 : vector<16xf32>
      %convert_element_type3A_47 = arith.fptosi %min3A_46 : vector<16xf32> to vector<16xi32>
      %convert_element_type3A_48 = arith.sitofp %convert_element_type3A_47 : vector<16xi32> to vector<16xf32>
      %sub3A_49 = arith.subf %min3A_46, %convert_element_type3A_48 : vector<16xf32>
      %add3A_50 = arith.constant 1 : i32
      %add3A_51 = vector.broadcast %add3A_50 : i32 to vector<16xi32>
      %add3A_52 = arith.addi %convert_element_type3A_47, %add3A_51 : vector<16xi32>
      %min3A_53 = vector.broadcast %squeeze3A_33 : i32 to vector<16xi32>
      %min3A_54 = arith.minsi %add3A_52, %min3A_53 : vector<16xi32>
      %mul3A_55 = vector.broadcast %squeeze3A_25 : f32 to vector<16xf32>
      %mul3A_56 = arith.mulf %convert_element_type3A, %mul3A_55 : vector<16xf32>
      %add3A_57 = vector.broadcast %squeeze3A_23 : f32 to vector<16xf32>
      %add3A_58 = arith.addf %add3A_57, %mul3A_56 : vector<16xf32>
      %ge3A_59 = arith.constant 0.000000e+00 : f32
      %ge3A_60 = vector.broadcast %ge3A_59 : f32 to vector<16xf32>
      %ge3A_61 = arith.cmpf oge, %add3A_58, %ge3A_60 : vector<16xf32>
      %le3A_62 = vector.broadcast %squeeze3A_27 : f32 to vector<16xf32>
      %le3A_63 = arith.cmpf ole, %add3A_58, %le3A_62 : vector<16xf32>
      %and3A_64 = arith.andi %ge3A_61, %le3A_63 : vector<16xi1>
      %jit3A_65 = arith.constant 1.000000e+00 : f32
      %jit3A_66 = arith.constant 0.000000e+00 : f32
      %broadcast_in_dim3A_67 = vector.broadcast %jit3A_65 : f32 to vector<16xf32>
      %broadcast_in_dim3A_68 = vector.broadcast %jit3A_66 : f32 to vector<16xf32>
      %select_n3A_69 = arith.select %and3A_64, %broadcast_in_dim3A_67, %broadcast_in_dim3A_68 : vector<16xi1>, vector<16xf32>
      %jit3A_70 = arith.constant 0.000000e+00 : f32
      %max3A_71 = vector.broadcast %jit3A_70 : f32 to vector<16xf32>
      %max3A_72 = arith.maximumf %max3A_71, %add3A_58 : vector<16xf32>
      %min3A_73 = vector.broadcast %squeeze3A_27 : f32 to vector<16xf32>
      %min3A_74 = arith.minimumf %min3A_73, %max3A_72 : vector<16xf32>
      %convert_element_type3A_75 = arith.fptosi %min3A_74 : vector<16xf32> to vector<16xi32>
      %convert_element_type3A_76 = arith.sitofp %convert_element_type3A_75 : vector<16xi32> to vector<16xf32>
      %sub3A_77 = arith.subf %min3A_74, %convert_element_type3A_76 : vector<16xf32>
      %add3A_78 = arith.constant 1 : i32
      %add3A_79 = vector.broadcast %add3A_78 : i32 to vector<16xi32>
      %add3A_80 = arith.addi %convert_element_type3A_75, %add3A_79 : vector<16xi32>
      %min3A_81 = vector.broadcast %squeeze3A_33 : i32 to vector<16xi32>
      %min3A_82 = arith.minsi %add3A_80, %min3A_81 : vector<16xi32>
      %lt3A = arith.constant 7 : i32
      %lt3A_83 = vector.broadcast %lt3A : i32 to vector<16xi32>
      %lt3A_84 = arith.cmpi slt, %iota3A, %lt3A_83 : vector<16xi32>
      %broadcast_in_dim3A_85 = vector.shape_cast %max3A_6 : vector<16xi32> to vector<16x1xi32>
      %gather3A = vector.shape_cast %broadcast_in_dim3A_85 : vector<16x1xi32> to vector<16xi32>
      %gather3A_86 = tpu.dynamic_gather %min3A_82[%gather3A] in [0] : vector<16xi32>, vector<16xi32> -> vector<16xi32>
      %select_n3A_87 = arith.select %lt3A_84, %convert_element_type3A_75, %gather3A_86 : vector<16xi1>, vector<16xi32>
      %mul3A_88 = vector.broadcast %squeeze3A_31 : i32 to vector<16xi32>
      %mul3A_89 = arith.muli %convert_element_type3A_47, %mul3A_88 : vector<16xi32>
      %add3A_90 = vector.broadcast %squeeze3A_29 : i32 to vector<16xi32>
      %add3A_91 = arith.addi %add3A_90, %mul3A_89 : vector<16xi32>
      %mul3A_92 = vector.broadcast %squeeze3A_31 : i32 to vector<16xi32>
      %mul3A_93 = arith.muli %min3A_54, %mul3A_92 : vector<16xi32>
      %add3A_94 = vector.broadcast %squeeze3A_29 : i32 to vector<16xi32>
      %add3A_95 = arith.addi %add3A_94, %mul3A_93 : vector<16xi32>
      %broadcast_in_dim3A_96 = arith.constant 0 : i32
      %broadcast_in_dim3A_97 = vector.broadcast %broadcast_in_dim3A_96 : i32 to vector<16xi32>
      %broadcast_in_dim3A_98 = vector.shape_cast %broadcast_in_dim3A_97 : vector<16xi32> to vector<16x1xi32>
      %gather3A_99 = vector.shape_cast %broadcast_in_dim3A_98 : vector<16x1xi32> to vector<16xi32>
      %gather3A_100 = tpu.dynamic_gather %add3A_91[%gather3A_99] in [0] : vector<16xi32>, vector<16xi32> -> vector<16xi32>
      %add3A_101 = arith.addi %gather3A_100, %select_n3A_87 : vector<16xi32>
      %broadcast_in_dim3A_102 = vector.shape_cast %broadcast_in_dim3A_97 : vector<16xi32> to vector<16x1xi32>
      %gather3A_103 = vector.shape_cast %broadcast_in_dim3A_102 : vector<16x1xi32> to vector<16xi32>
      %gather3A_104 = tpu.dynamic_gather %add3A_95[%gather3A_103] in [0] : vector<16xi32>, vector<16xi32> -> vector<16xi32>
      %add3A_105 = arith.addi %gather3A_104, %select_n3A_87 : vector<16xi32>
      %dma_start3A = arith.constant 0 : i32
      %dma_start3A_106 = arith.constant 0 : i32
      %dma_start3A_107 = arith.constant 0 : i32
      %dma_start3A_108 = arith.constant 0 : i32
      %dma_start3A_109 = tpu.memref_slice %arg8[%dma_start3A, %dma_start3A_106, %dma_start3A_107, %dma_start3A_108] : memref<7x2x16x256xf32, #tpu.memory_space<vmem>> -> memref<1x1x16x256xf32, #tpu.memory_space<vmem>>
      %dma_start3A_110 = tpu.memref_squeeze %dma_start3A_109 : memref<1x1x16x256xf32, #tpu.memory_space<vmem>> -> memref<16x256xf32, #tpu.memory_space<vmem>>
      %dma_start3A_111 = arith.constant 0 : i32
      %dma_start3A_112 = arith.constant 0 : i32
      %dma_start3A_113 = tpu.memref_slice %arg2[%dma_start3A_111, %dma_start3A_112] : memref<43520x256xf32, #tpu.memory_space<hbm>> -> memref<43520x256xf32, #tpu.memory_space<hbm>>
      tpu.enqueue_indirect_dma source(%dma_start3A_113 : memref<43520x256xf32, #tpu.memory_space<hbm>>) target(%dma_start3A_110 : memref<16x256xf32, #tpu.memory_space<vmem>>) offsets(%add3A_101 : vector<16xi32>) semaphore(%arg10 : memref<!tpu.dma_semaphore, #tpu.memory_space<semaphore_mem>>)
      %dma_start3A_114 = arith.constant 0 : i32
      %dma_start3A_115 = arith.constant 1 : i32
      %dma_start3A_116 = arith.constant 0 : i32
      %dma_start3A_117 = arith.constant 0 : i32
      %dma_start3A_118 = tpu.memref_slice %arg8[%dma_start3A_114, %dma_start3A_115, %dma_start3A_116, %dma_start3A_117] : memref<7x2x16x256xf32, #tpu.memory_space<vmem>> -> memref<1x1x16x256xf32, #tpu.memory_space<vmem>>
      %dma_start3A_119 = tpu.memref_squeeze %dma_start3A_118 : memref<1x1x16x256xf32, #tpu.memory_space<vmem>> -> memref<16x256xf32, #tpu.memory_space<vmem>>
      %dma_start3A_120 = arith.constant 0 : i32
      %dma_start3A_121 = arith.constant 0 : i32
      %dma_start3A_122 = tpu.memref_slice %arg2[%dma_start3A_120, %dma_start3A_121] : memref<43520x256xf32, #tpu.memory_space<hbm>> -> memref<43520x256xf32, #tpu.memory_space<hbm>>
      tpu.enqueue_indirect_dma source(%dma_start3A_122 : memref<43520x256xf32, #tpu.memory_space<hbm>>) target(%dma_start3A_119 : memref<16x256xf32, #tpu.memory_space<vmem>>) offsets(%add3A_105 : vector<16xi32>) semaphore(%arg10 : memref<!tpu.dma_semaphore, #tpu.memory_space<semaphore_mem>>)
      %broadcast_in_dim3A_123 = arith.constant 1 : i32
      %broadcast_in_dim3A_124 = vector.broadcast %broadcast_in_dim3A_123 : i32 to vector<16xi32>
      %broadcast_in_dim3A_125 = vector.shape_cast %broadcast_in_dim3A_124 : vector<16xi32> to vector<16x1xi32>
      %gather3A_126 = vector.shape_cast %broadcast_in_dim3A_125 : vector<16x1xi32> to vector<16xi32>
      %gather3A_127 = tpu.dynamic_gather %add3A_91[%gather3A_126] in [0] : vector<16xi32>, vector<16xi32> -> vector<16xi32>
      %add3A_128 = arith.addi %gather3A_127, %select_n3A_87 : vector<16xi32>
      %broadcast_in_dim3A_129 = vector.shape_cast %broadcast_in_dim3A_124 : vector<16xi32> to vector<16x1xi32>
      %gather3A_130 = vector.shape_cast %broadcast_in_dim3A_129 : vector<16x1xi32> to vector<16xi32>
      %gather3A_131 = tpu.dynamic_gather %add3A_95[%gather3A_130] in [0] : vector<16xi32>, vector<16xi32> -> vector<16xi32>
      %add3A_132 = arith.addi %gather3A_131, %select_n3A_87 : vector<16xi32>
      %dma_start3A_133 = arith.constant 1 : i32
      %dma_start3A_134 = arith.constant 0 : i32
      %dma_start3A_135 = arith.constant 0 : i32
      %dma_start3A_136 = arith.constant 0 : i32
      %dma_start3A_137 = tpu.memref_slice %arg8[%dma_start3A_133, %dma_start3A_134, %dma_start3A_135, %dma_start3A_136] : memref<7x2x16x256xf32, #tpu.memory_space<vmem>> -> memref<1x1x16x256xf32, #tpu.memory_space<vmem>>
      %dma_start3A_138 = tpu.memref_squeeze %dma_start3A_137 : memref<1x1x16x256xf32, #tpu.memory_space<vmem>> -> memref<16x256xf32, #tpu.memory_space<vmem>>
      %dma_start3A_139 = arith.constant 0 : i32
      %dma_start3A_140 = arith.constant 0 : i32
      %dma_start3A_141 = tpu.memref_slice %arg2[%dma_start3A_139, %dma_start3A_140] : memref<43520x256xf32, #tpu.memory_space<hbm>> -> memref<43520x256xf32, #tpu.memory_space<hbm>>
      tpu.enqueue_indirect_dma source(%dma_start3A_141 : memref<43520x256xf32, #tpu.memory_space<hbm>>) target(%dma_start3A_138 : memref<16x256xf32, #tpu.memory_space<vmem>>) offsets(%add3A_128 : vector<16xi32>) semaphore(%arg10 : memref<!tpu.dma_semaphore, #tpu.memory_space<semaphore_mem>>)
      %dma_start3A_142 = arith.constant 1 : i32
      %dma_start3A_143 = arith.constant 1 : i32
      %dma_start3A_144 = arith.constant 0 : i32
      %dma_start3A_145 = arith.constant 0 : i32
      %dma_start3A_146 = tpu.memref_slice %arg8[%dma_start3A_142, %dma_start3A_143, %dma_start3A_144, %dma_start3A_145] : memref<7x2x16x256xf32, #tpu.memory_space<vmem>> -> memref<1x1x16x256xf32, #tpu.memory_space<vmem>>
      %dma_start3A_147 = tpu.memref_squeeze %dma_start3A_146 : memref<1x1x16x256xf32, #tpu.memory_space<vmem>> -> memref<16x256xf32, #tpu.memory_space<vmem>>
      %dma_start3A_148 = arith.constant 0 : i32
      %dma_start3A_149 = arith.constant 0 : i32
      %dma_start3A_150 = tpu.memref_slice %arg2[%dma_start3A_148, %dma_start3A_149] : memref<43520x256xf32, #tpu.memory_space<hbm>> -> memref<43520x256xf32, #tpu.memory_space<hbm>>
      tpu.enqueue_indirect_dma source(%dma_start3A_150 : memref<43520x256xf32, #tpu.memory_space<hbm>>) target(%dma_start3A_147 : memref<16x256xf32, #tpu.memory_space<vmem>>) offsets(%add3A_132 : vector<16xi32>) semaphore(%arg10 : memref<!tpu.dma_semaphore, #tpu.memory_space<semaphore_mem>>)
      %broadcast_in_dim3A_151 = arith.constant 2 : i32
      %broadcast_in_dim3A_152 = vector.broadcast %broadcast_in_dim3A_151 : i32 to vector<16xi32>
      %broadcast_in_dim3A_153 = vector.shape_cast %broadcast_in_dim3A_152 : vector<16xi32> to vector<16x1xi32>
      %gather3A_154 = vector.shape_cast %broadcast_in_dim3A_153 : vector<16x1xi32> to vector<16xi32>
      %gather3A_155 = tpu.dynamic_gather %add3A_91[%gather3A_154] in [0] : vector<16xi32>, vector<16xi32> -> vector<16xi32>
      %add3A_156 = arith.addi %gather3A_155, %select_n3A_87 : vector<16xi32>
      %broadcast_in_dim3A_157 = vector.shape_cast %broadcast_in_dim3A_152 : vector<16xi32> to vector<16x1xi32>
      %gather3A_158 = vector.shape_cast %broadcast_in_dim3A_157 : vector<16x1xi32> to vector<16xi32>
      %gather3A_159 = tpu.dynamic_gather %add3A_95[%gather3A_158] in [0] : vector<16xi32>, vector<16xi32> -> vector<16xi32>
      %add3A_160 = arith.addi %gather3A_159, %select_n3A_87 : vector<16xi32>
      %dma_start3A_161 = arith.constant 2 : i32
      %dma_start3A_162 = arith.constant 0 : i32
      %dma_start3A_163 = arith.constant 0 : i32
      %dma_start3A_164 = arith.constant 0 : i32
      %dma_start3A_165 = tpu.memref_slice %arg8[%dma_start3A_161, %dma_start3A_162, %dma_start3A_163, %dma_start3A_164] : memref<7x2x16x256xf32, #tpu.memory_space<vmem>> -> memref<1x1x16x256xf32, #tpu.memory_space<vmem>>
      %dma_start3A_166 = tpu.memref_squeeze %dma_start3A_165 : memref<1x1x16x256xf32, #tpu.memory_space<vmem>> -> memref<16x256xf32, #tpu.memory_space<vmem>>
      %dma_start3A_167 = arith.constant 0 : i32
      %dma_start3A_168 = arith.constant 0 : i32
      %dma_start3A_169 = tpu.memref_slice %arg2[%dma_start3A_167, %dma_start3A_168] : memref<43520x256xf32, #tpu.memory_space<hbm>> -> memref<43520x256xf32, #tpu.memory_space<hbm>>
      tpu.enqueue_indirect_dma source(%dma_start3A_169 : memref<43520x256xf32, #tpu.memory_space<hbm>>) target(%dma_start3A_166 : memref<16x256xf32, #tpu.memory_space<vmem>>) offsets(%add3A_156 : vector<16xi32>) semaphore(%arg10 : memref<!tpu.dma_semaphore, #tpu.memory_space<semaphore_mem>>)
      %dma_start3A_170 = arith.constant 2 : i32
      %dma_start3A_171 = arith.constant 1 : i32
      %dma_start3A_172 = arith.constant 0 : i32
      %dma_start3A_173 = arith.constant 0 : i32
      %dma_start3A_174 = tpu.memref_slice %arg8[%dma_start3A_170, %dma_start3A_171, %dma_start3A_172, %dma_start3A_173] : memref<7x2x16x256xf32, #tpu.memory_space<vmem>> -> memref<1x1x16x256xf32, #tpu.memory_space<vmem>>
      %dma_start3A_175 = tpu.memref_squeeze %dma_start3A_174 : memref<1x1x16x256xf32, #tpu.memory_space<vmem>> -> memref<16x256xf32, #tpu.memory_space<vmem>>
      %dma_start3A_176 = arith.constant 0 : i32
      %dma_start3A_177 = arith.constant 0 : i32
      %dma_start3A_178 = tpu.memref_slice %arg2[%dma_start3A_176, %dma_start3A_177] : memref<43520x256xf32, #tpu.memory_space<hbm>> -> memref<43520x256xf32, #tpu.memory_space<hbm>>
      tpu.enqueue_indirect_dma source(%dma_start3A_178 : memref<43520x256xf32, #tpu.memory_space<hbm>>) target(%dma_start3A_175 : memref<16x256xf32, #tpu.memory_space<vmem>>) offsets(%add3A_160 : vector<16xi32>) semaphore(%arg10 : memref<!tpu.dma_semaphore, #tpu.memory_space<semaphore_mem>>)
      %broadcast_in_dim3A_179 = arith.constant 3 : i32
      %broadcast_in_dim3A_180 = vector.broadcast %broadcast_in_dim3A_179 : i32 to vector<16xi32>
      %broadcast_in_dim3A_181 = vector.shape_cast %broadcast_in_dim3A_180 : vector<16xi32> to vector<16x1xi32>
      %gather3A_182 = vector.shape_cast %broadcast_in_dim3A_181 : vector<16x1xi32> to vector<16xi32>
      %gather3A_183 = tpu.dynamic_gather %add3A_91[%gather3A_182] in [0] : vector<16xi32>, vector<16xi32> -> vector<16xi32>
      %add3A_184 = arith.addi %gather3A_183, %select_n3A_87 : vector<16xi32>
      %broadcast_in_dim3A_185 = vector.shape_cast %broadcast_in_dim3A_180 : vector<16xi32> to vector<16x1xi32>
      %gather3A_186 = vector.shape_cast %broadcast_in_dim3A_185 : vector<16x1xi32> to vector<16xi32>
      %gather3A_187 = tpu.dynamic_gather %add3A_95[%gather3A_186] in [0] : vector<16xi32>, vector<16xi32> -> vector<16xi32>
      %add3A_188 = arith.addi %gather3A_187, %select_n3A_87 : vector<16xi32>
      %dma_start3A_189 = arith.constant 3 : i32
      %dma_start3A_190 = arith.constant 0 : i32
      %dma_start3A_191 = arith.constant 0 : i32
      %dma_start3A_192 = arith.constant 0 : i32
      %dma_start3A_193 = tpu.memref_slice %arg8[%dma_start3A_189, %dma_start3A_190, %dma_start3A_191, %dma_start3A_192] : memref<7x2x16x256xf32, #tpu.memory_space<vmem>> -> memref<1x1x16x256xf32, #tpu.memory_space<vmem>>
      %dma_start3A_194 = tpu.memref_squeeze %dma_start3A_193 : memref<1x1x16x256xf32, #tpu.memory_space<vmem>> -> memref<16x256xf32, #tpu.memory_space<vmem>>
      %dma_start3A_195 = arith.constant 0 : i32
      %dma_start3A_196 = arith.constant 0 : i32
      %dma_start3A_197 = tpu.memref_slice %arg2[%dma_start3A_195, %dma_start3A_196] : memref<43520x256xf32, #tpu.memory_space<hbm>> -> memref<43520x256xf32, #tpu.memory_space<hbm>>
      tpu.enqueue_indirect_dma source(%dma_start3A_197 : memref<43520x256xf32, #tpu.memory_space<hbm>>) target(%dma_start3A_194 : memref<16x256xf32, #tpu.memory_space<vmem>>) offsets(%add3A_184 : vector<16xi32>) semaphore(%arg10 : memref<!tpu.dma_semaphore, #tpu.memory_space<semaphore_mem>>)
      %dma_start3A_198 = arith.constant 3 : i32
      %dma_start3A_199 = arith.constant 1 : i32
      %dma_start3A_200 = arith.constant 0 : i32
      %dma_start3A_201 = arith.constant 0 : i32
      %dma_start3A_202 = tpu.memref_slice %arg8[%dma_start3A_198, %dma_start3A_199, %dma_start3A_200, %dma_start3A_201] : memref<7x2x16x256xf32, #tpu.memory_space<vmem>> -> memref<1x1x16x256xf32, #tpu.memory_space<vmem>>
      %dma_start3A_203 = tpu.memref_squeeze %dma_start3A_202 : memref<1x1x16x256xf32, #tpu.memory_space<vmem>> -> memref<16x256xf32, #tpu.memory_space<vmem>>
      %dma_start3A_204 = arith.constant 0 : i32
      %dma_start3A_205 = arith.constant 0 : i32
      %dma_start3A_206 = tpu.memref_slice %arg2[%dma_start3A_204, %dma_start3A_205] : memref<43520x256xf32, #tpu.memory_space<hbm>> -> memref<43520x256xf32, #tpu.memory_space<hbm>>
      tpu.enqueue_indirect_dma source(%dma_start3A_206 : memref<43520x256xf32, #tpu.memory_space<hbm>>) target(%dma_start3A_203 : memref<16x256xf32, #tpu.memory_space<vmem>>) offsets(%add3A_188 : vector<16xi32>) semaphore(%arg10 : memref<!tpu.dma_semaphore, #tpu.memory_space<semaphore_mem>>)
      %broadcast_in_dim3A_207 = arith.constant 4 : i32
      %broadcast_in_dim3A_208 = vector.broadcast %broadcast_in_dim3A_207 : i32 to vector<16xi32>
      %broadcast_in_dim3A_209 = vector.shape_cast %broadcast_in_dim3A_208 : vector<16xi32> to vector<16x1xi32>
      %gather3A_210 = vector.shape_cast %broadcast_in_dim3A_209 : vector<16x1xi32> to vector<16xi32>
      %gather3A_211 = tpu.dynamic_gather %add3A_91[%gather3A_210] in [0] : vector<16xi32>, vector<16xi32> -> vector<16xi32>
      %add3A_212 = arith.addi %gather3A_211, %select_n3A_87 : vector<16xi32>
      %broadcast_in_dim3A_213 = vector.shape_cast %broadcast_in_dim3A_208 : vector<16xi32> to vector<16x1xi32>
      %gather3A_214 = vector.shape_cast %broadcast_in_dim3A_213 : vector<16x1xi32> to vector<16xi32>
      %gather3A_215 = tpu.dynamic_gather %add3A_95[%gather3A_214] in [0] : vector<16xi32>, vector<16xi32> -> vector<16xi32>
      %add3A_216 = arith.addi %gather3A_215, %select_n3A_87 : vector<16xi32>
      %dma_start3A_217 = arith.constant 4 : i32
      %dma_start3A_218 = arith.constant 0 : i32
      %dma_start3A_219 = arith.constant 0 : i32
      %dma_start3A_220 = arith.constant 0 : i32
      %dma_start3A_221 = tpu.memref_slice %arg8[%dma_start3A_217, %dma_start3A_218, %dma_start3A_219, %dma_start3A_220] : memref<7x2x16x256xf32, #tpu.memory_space<vmem>> -> memref<1x1x16x256xf32, #tpu.memory_space<vmem>>
      %dma_start3A_222 = tpu.memref_squeeze %dma_start3A_221 : memref<1x1x16x256xf32, #tpu.memory_space<vmem>> -> memref<16x256xf32, #tpu.memory_space<vmem>>
      %dma_start3A_223 = arith.constant 0 : i32
      %dma_start3A_224 = arith.constant 0 : i32
      %dma_start3A_225 = tpu.memref_slice %arg2[%dma_start3A_223, %dma_start3A_224] : memref<43520x256xf32, #tpu.memory_space<hbm>> -> memref<43520x256xf32, #tpu.memory_space<hbm>>
      tpu.enqueue_indirect_dma source(%dma_start3A_225 : memref<43520x256xf32, #tpu.memory_space<hbm>>) target(%dma_start3A_222 : memref<16x256xf32, #tpu.memory_space<vmem>>) offsets(%add3A_212 : vector<16xi32>) semaphore(%arg10 : memref<!tpu.dma_semaphore, #tpu.memory_space<semaphore_mem>>)
      %dma_start3A_226 = arith.constant 4 : i32
      %dma_start3A_227 = arith.constant 1 : i32
      %dma_start3A_228 = arith.constant 0 : i32
      %dma_start3A_229 = arith.constant 0 : i32
      %dma_start3A_230 = tpu.memref_slice %arg8[%dma_start3A_226, %dma_start3A_227, %dma_start3A_228, %dma_start3A_229] : memref<7x2x16x256xf32, #tpu.memory_space<vmem>> -> memref<1x1x16x256xf32, #tpu.memory_space<vmem>>
      %dma_start3A_231 = tpu.memref_squeeze %dma_start3A_230 : memref<1x1x16x256xf32, #tpu.memory_space<vmem>> -> memref<16x256xf32, #tpu.memory_space<vmem>>
      %dma_start3A_232 = arith.constant 0 : i32
      %dma_start3A_233 = arith.constant 0 : i32
      %dma_start3A_234 = tpu.memref_slice %arg2[%dma_start3A_232, %dma_start3A_233] : memref<43520x256xf32, #tpu.memory_space<hbm>> -> memref<43520x256xf32, #tpu.memory_space<hbm>>
      tpu.enqueue_indirect_dma source(%dma_start3A_234 : memref<43520x256xf32, #tpu.memory_space<hbm>>) target(%dma_start3A_231 : memref<16x256xf32, #tpu.memory_space<vmem>>) offsets(%add3A_216 : vector<16xi32>) semaphore(%arg10 : memref<!tpu.dma_semaphore, #tpu.memory_space<semaphore_mem>>)
      %broadcast_in_dim3A_235 = arith.constant 5 : i32
      %broadcast_in_dim3A_236 = vector.broadcast %broadcast_in_dim3A_235 : i32 to vector<16xi32>
      %broadcast_in_dim3A_237 = vector.shape_cast %broadcast_in_dim3A_236 : vector<16xi32> to vector<16x1xi32>
      %gather3A_238 = vector.shape_cast %broadcast_in_dim3A_237 : vector<16x1xi32> to vector<16xi32>
      %gather3A_239 = tpu.dynamic_gather %add3A_91[%gather3A_238] in [0] : vector<16xi32>, vector<16xi32> -> vector<16xi32>
      %add3A_240 = arith.addi %gather3A_239, %select_n3A_87 : vector<16xi32>
      %broadcast_in_dim3A_241 = vector.shape_cast %broadcast_in_dim3A_236 : vector<16xi32> to vector<16x1xi32>
      %gather3A_242 = vector.shape_cast %broadcast_in_dim3A_241 : vector<16x1xi32> to vector<16xi32>
      %gather3A_243 = tpu.dynamic_gather %add3A_95[%gather3A_242] in [0] : vector<16xi32>, vector<16xi32> -> vector<16xi32>
      %add3A_244 = arith.addi %gather3A_243, %select_n3A_87 : vector<16xi32>
      %dma_start3A_245 = arith.constant 5 : i32
      %dma_start3A_246 = arith.constant 0 : i32
      %dma_start3A_247 = arith.constant 0 : i32
      %dma_start3A_248 = arith.constant 0 : i32
      %dma_start3A_249 = tpu.memref_slice %arg8[%dma_start3A_245, %dma_start3A_246, %dma_start3A_247, %dma_start3A_248] : memref<7x2x16x256xf32, #tpu.memory_space<vmem>> -> memref<1x1x16x256xf32, #tpu.memory_space<vmem>>
      %dma_start3A_250 = tpu.memref_squeeze %dma_start3A_249 : memref<1x1x16x256xf32, #tpu.memory_space<vmem>> -> memref<16x256xf32, #tpu.memory_space<vmem>>
      %dma_start3A_251 = arith.constant 0 : i32
      %dma_start3A_252 = arith.constant 0 : i32
      %dma_start3A_253 = tpu.memref_slice %arg2[%dma_start3A_251, %dma_start3A_252] : memref<43520x256xf32, #tpu.memory_space<hbm>> -> memref<43520x256xf32, #tpu.memory_space<hbm>>
      tpu.enqueue_indirect_dma source(%dma_start3A_253 : memref<43520x256xf32, #tpu.memory_space<hbm>>) target(%dma_start3A_250 : memref<16x256xf32, #tpu.memory_space<vmem>>) offsets(%add3A_240 : vector<16xi32>) semaphore(%arg10 : memref<!tpu.dma_semaphore, #tpu.memory_space<semaphore_mem>>)
      %dma_start3A_254 = arith.constant 5 : i32
      %dma_start3A_255 = arith.constant 1 : i32
      %dma_start3A_256 = arith.constant 0 : i32
      %dma_start3A_257 = arith.constant 0 : i32
      %dma_start3A_258 = tpu.memref_slice %arg8[%dma_start3A_254, %dma_start3A_255, %dma_start3A_256, %dma_start3A_257] : memref<7x2x16x256xf32, #tpu.memory_space<vmem>> -> memref<1x1x16x256xf32, #tpu.memory_space<vmem>>
      %dma_start3A_259 = tpu.memref_squeeze %dma_start3A_258 : memref<1x1x16x256xf32, #tpu.memory_space<vmem>> -> memref<16x256xf32, #tpu.memory_space<vmem>>
      %dma_start3A_260 = arith.constant 0 : i32
      %dma_start3A_261 = arith.constant 0 : i32
      %dma_start3A_262 = tpu.memref_slice %arg2[%dma_start3A_260, %dma_start3A_261] : memref<43520x256xf32, #tpu.memory_space<hbm>> -> memref<43520x256xf32, #tpu.memory_space<hbm>>
      tpu.enqueue_indirect_dma source(%dma_start3A_262 : memref<43520x256xf32, #tpu.memory_space<hbm>>) target(%dma_start3A_259 : memref<16x256xf32, #tpu.memory_space<vmem>>) offsets(%add3A_244 : vector<16xi32>) semaphore(%arg10 : memref<!tpu.dma_semaphore, #tpu.memory_space<semaphore_mem>>)
      %broadcast_in_dim3A_263 = arith.constant 6 : i32
      %broadcast_in_dim3A_264 = vector.broadcast %broadcast_in_dim3A_263 : i32 to vector<16xi32>
      %broadcast_in_dim3A_265 = vector.shape_cast %broadcast_in_dim3A_264 : vector<16xi32> to vector<16x1xi32>
      %gather3A_266 = vector.shape_cast %broadcast_in_dim3A_265 : vector<16x1xi32> to vector<16xi32>
      %gather3A_267 = tpu.dynamic_gather %add3A_91[%gather3A_266] in [0] : vector<16xi32>, vector<16xi32> -> vector<16xi32>
      %add3A_268 = arith.addi %gather3A_267, %select_n3A_87 : vector<16xi32>
      %broadcast_in_dim3A_269 = vector.shape_cast %broadcast_in_dim3A_264 : vector<16xi32> to vector<16x1xi32>
      %gather3A_270 = vector.shape_cast %broadcast_in_dim3A_269 : vector<16x1xi32> to vector<16xi32>
      %gather3A_271 = tpu.dynamic_gather %add3A_95[%gather3A_270] in [0] : vector<16xi32>, vector<16xi32> -> vector<16xi32>
      %add3A_272 = arith.addi %gather3A_271, %select_n3A_87 : vector<16xi32>
      %dma_start3A_273 = arith.constant 6 : i32
      %dma_start3A_274 = arith.constant 0 : i32
      %dma_start3A_275 = arith.constant 0 : i32
      %dma_start3A_276 = arith.constant 0 : i32
      %dma_start3A_277 = tpu.memref_slice %arg8[%dma_start3A_273, %dma_start3A_274, %dma_start3A_275, %dma_start3A_276] : memref<7x2x16x256xf32, #tpu.memory_space<vmem>> -> memref<1x1x16x256xf32, #tpu.memory_space<vmem>>
      %dma_start3A_278 = tpu.memref_squeeze %dma_start3A_277 : memref<1x1x16x256xf32, #tpu.memory_space<vmem>> -> memref<16x256xf32, #tpu.memory_space<vmem>>
      %dma_start3A_279 = arith.constant 0 : i32
      %dma_start3A_280 = arith.constant 0 : i32
      %dma_start3A_281 = tpu.memref_slice %arg2[%dma_start3A_279, %dma_start3A_280] : memref<43520x256xf32, #tpu.memory_space<hbm>> -> memref<43520x256xf32, #tpu.memory_space<hbm>>
      tpu.enqueue_indirect_dma source(%dma_start3A_281 : memref<43520x256xf32, #tpu.memory_space<hbm>>) target(%dma_start3A_278 : memref<16x256xf32, #tpu.memory_space<vmem>>) offsets(%add3A_268 : vector<16xi32>) semaphore(%arg10 : memref<!tpu.dma_semaphore, #tpu.memory_space<semaphore_mem>>)
      %dma_start3A_282 = arith.constant 6 : i32
      %dma_start3A_283 = arith.constant 1 : i32
      %dma_start3A_284 = arith.constant 0 : i32
      %dma_start3A_285 = arith.constant 0 : i32
      %dma_start3A_286 = tpu.memref_slice %arg8[%dma_start3A_282, %dma_start3A_283, %dma_start3A_284, %dma_start3A_285] : memref<7x2x16x256xf32, #tpu.memory_space<vmem>> -> memref<1x1x16x256xf32, #tpu.memory_space<vmem>>
      %dma_start3A_287 = tpu.memref_squeeze %dma_start3A_286 : memref<1x1x16x256xf32, #tpu.memory_space<vmem>> -> memref<16x256xf32, #tpu.memory_space<vmem>>
      %dma_start3A_288 = arith.constant 0 : i32
      %dma_start3A_289 = arith.constant 0 : i32
      %dma_start3A_290 = tpu.memref_slice %arg2[%dma_start3A_288, %dma_start3A_289] : memref<43520x256xf32, #tpu.memory_space<hbm>> -> memref<43520x256xf32, #tpu.memory_space<hbm>>
      tpu.enqueue_indirect_dma source(%dma_start3A_290 : memref<43520x256xf32, #tpu.memory_space<hbm>>) target(%dma_start3A_287 : memref<16x256xf32, #tpu.memory_space<vmem>>) offsets(%add3A_272 : vector<16xi32>) semaphore(%arg10 : memref<!tpu.dma_semaphore, #tpu.memory_space<semaphore_mem>>)
      %dma_wait3A = arith.constant 0 : i32
      %dma_wait3A_291 = arith.constant 0 : i32
      %dma_wait3A_292 = arith.constant 0 : i32
      %dma_wait3A_293 = arith.constant 0 : i32
      %dma_wait3A_294 = tpu.memref_slice %arg8[%dma_wait3A, %dma_wait3A_291, %dma_wait3A_292, %dma_wait3A_293] : memref<7x2x16x256xf32, #tpu.memory_space<vmem>> -> memref<1x1x16x256xf32, #tpu.memory_space<vmem>>
      %dma_wait3A_295 = tpu.memref_squeeze %dma_wait3A_294 : memref<1x1x16x256xf32, #tpu.memory_space<vmem>> -> memref<16x256xf32, #tpu.memory_space<vmem>>
      %dma_wait3A_296 = arith.constant 0 : i32
      %dma_wait3A_297 = arith.constant 0 : i32
      %dma_wait3A_298 = tpu.memref_slice %arg2[%dma_wait3A_296, %dma_wait3A_297] : memref<43520x256xf32, #tpu.memory_space<hbm>> -> memref<43520x256xf32, #tpu.memory_space<hbm>>
      tpu.wait_indirect_dma semaphore(%arg10 : memref<!tpu.dma_semaphore, #tpu.memory_space<semaphore_mem>>) src(%dma_wait3A_298 : memref<43520x256xf32, #tpu.memory_space<hbm>>) dst(%dma_wait3A_295 : memref<16x256xf32, #tpu.memory_space<vmem>>)
      %dma_wait3A_299 = arith.constant 0 : i32
      %dma_wait3A_300 = arith.constant 1 : i32
      %dma_wait3A_301 = arith.constant 0 : i32
      %dma_wait3A_302 = arith.constant 0 : i32
      %dma_wait3A_303 = tpu.memref_slice %arg8[%dma_wait3A_299, %dma_wait3A_300, %dma_wait3A_301, %dma_wait3A_302] : memref<7x2x16x256xf32, #tpu.memory_space<vmem>> -> memref<1x1x16x256xf32, #tpu.memory_space<vmem>>
      %dma_wait3A_304 = tpu.memref_squeeze %dma_wait3A_303 : memref<1x1x16x256xf32, #tpu.memory_space<vmem>> -> memref<16x256xf32, #tpu.memory_space<vmem>>
      %dma_wait3A_305 = arith.constant 0 : i32
      %dma_wait3A_306 = arith.constant 0 : i32
      %dma_wait3A_307 = tpu.memref_slice %arg2[%dma_wait3A_305, %dma_wait3A_306] : memref<43520x256xf32, #tpu.memory_space<hbm>> -> memref<43520x256xf32, #tpu.memory_space<hbm>>
      tpu.wait_indirect_dma semaphore(%arg10 : memref<!tpu.dma_semaphore, #tpu.memory_space<semaphore_mem>>) src(%dma_wait3A_307 : memref<43520x256xf32, #tpu.memory_space<hbm>>) dst(%dma_wait3A_304 : memref<16x256xf32, #tpu.memory_space<vmem>>)
      %dma_wait3A_308 = arith.constant 1 : i32
      %dma_wait3A_309 = arith.constant 0 : i32
      %dma_wait3A_310 = arith.constant 0 : i32
      %dma_wait3A_311 = arith.constant 0 : i32
      %dma_wait3A_312 = tpu.memref_slice %arg8[%dma_wait3A_308, %dma_wait3A_309, %dma_wait3A_310, %dma_wait3A_311] : memref<7x2x16x256xf32, #tpu.memory_space<vmem>> -> memref<1x1x16x256xf32, #tpu.memory_space<vmem>>
      %dma_wait3A_313 = tpu.memref_squeeze %dma_wait3A_312 : memref<1x1x16x256xf32, #tpu.memory_space<vmem>> -> memref<16x256xf32, #tpu.memory_space<vmem>>
      %dma_wait3A_314 = arith.constant 0 : i32
      %dma_wait3A_315 = arith.constant 0 : i32
      %dma_wait3A_316 = tpu.memref_slice %arg2[%dma_wait3A_314, %dma_wait3A_315] : memref<43520x256xf32, #tpu.memory_space<hbm>> -> memref<43520x256xf32, #tpu.memory_space<hbm>>
      tpu.wait_indirect_dma semaphore(%arg10 : memref<!tpu.dma_semaphore, #tpu.memory_space<semaphore_mem>>) src(%dma_wait3A_316 : memref<43520x256xf32, #tpu.memory_space<hbm>>) dst(%dma_wait3A_313 : memref<16x256xf32, #tpu.memory_space<vmem>>)
      %dma_wait3A_317 = arith.constant 1 : i32
      %dma_wait3A_318 = arith.constant 1 : i32
      %dma_wait3A_319 = arith.constant 0 : i32
      %dma_wait3A_320 = arith.constant 0 : i32
      %dma_wait3A_321 = tpu.memref_slice %arg8[%dma_wait3A_317, %dma_wait3A_318, %dma_wait3A_319, %dma_wait3A_320] : memref<7x2x16x256xf32, #tpu.memory_space<vmem>> -> memref<1x1x16x256xf32, #tpu.memory_space<vmem>>
      %dma_wait3A_322 = tpu.memref_squeeze %dma_wait3A_321 : memref<1x1x16x256xf32, #tpu.memory_space<vmem>> -> memref<16x256xf32, #tpu.memory_space<vmem>>
      %dma_wait3A_323 = arith.constant 0 : i32
      %dma_wait3A_324 = arith.constant 0 : i32
      %dma_wait3A_325 = tpu.memref_slice %arg2[%dma_wait3A_323, %dma_wait3A_324] : memref<43520x256xf32, #tpu.memory_space<hbm>> -> memref<43520x256xf32, #tpu.memory_space<hbm>>
      tpu.wait_indirect_dma semaphore(%arg10 : memref<!tpu.dma_semaphore, #tpu.memory_space<semaphore_mem>>) src(%dma_wait3A_325 : memref<43520x256xf32, #tpu.memory_space<hbm>>) dst(%dma_wait3A_322 : memref<16x256xf32, #tpu.memory_space<vmem>>)
      %dma_wait3A_326 = arith.constant 2 : i32
      %dma_wait3A_327 = arith.constant 0 : i32
      %dma_wait3A_328 = arith.constant 0 : i32
      %dma_wait3A_329 = arith.constant 0 : i32
      %dma_wait3A_330 = tpu.memref_slice %arg8[%dma_wait3A_326, %dma_wait3A_327, %dma_wait3A_328, %dma_wait3A_329] : memref<7x2x16x256xf32, #tpu.memory_space<vmem>> -> memref<1x1x16x256xf32, #tpu.memory_space<vmem>>
      %dma_wait3A_331 = tpu.memref_squeeze %dma_wait3A_330 : memref<1x1x16x256xf32, #tpu.memory_space<vmem>> -> memref<16x256xf32, #tpu.memory_space<vmem>>
      %dma_wait3A_332 = arith.constant 0 : i32
      %dma_wait3A_333 = arith.constant 0 : i32
      %dma_wait3A_334 = tpu.memref_slice %arg2[%dma_wait3A_332, %dma_wait3A_333] : memref<43520x256xf32, #tpu.memory_space<hbm>> -> memref<43520x256xf32, #tpu.memory_space<hbm>>
      tpu.wait_indirect_dma semaphore(%arg10 : memref<!tpu.dma_semaphore, #tpu.memory_space<semaphore_mem>>) src(%dma_wait3A_334 : memref<43520x256xf32, #tpu.memory_space<hbm>>) dst(%dma_wait3A_331 : memref<16x256xf32, #tpu.memory_space<vmem>>)
      %dma_wait3A_335 = arith.constant 2 : i32
      %dma_wait3A_336 = arith.constant 1 : i32
      %dma_wait3A_337 = arith.constant 0 : i32
      %dma_wait3A_338 = arith.constant 0 : i32
      %dma_wait3A_339 = tpu.memref_slice %arg8[%dma_wait3A_335, %dma_wait3A_336, %dma_wait3A_337, %dma_wait3A_338] : memref<7x2x16x256xf32, #tpu.memory_space<vmem>> -> memref<1x1x16x256xf32, #tpu.memory_space<vmem>>
      %dma_wait3A_340 = tpu.memref_squeeze %dma_wait3A_339 : memref<1x1x16x256xf32, #tpu.memory_space<vmem>> -> memref<16x256xf32, #tpu.memory_space<vmem>>
      %dma_wait3A_341 = arith.constant 0 : i32
      %dma_wait3A_342 = arith.constant 0 : i32
      %dma_wait3A_343 = tpu.memref_slice %arg2[%dma_wait3A_341, %dma_wait3A_342] : memref<43520x256xf32, #tpu.memory_space<hbm>> -> memref<43520x256xf32, #tpu.memory_space<hbm>>
      tpu.wait_indirect_dma semaphore(%arg10 : memref<!tpu.dma_semaphore, #tpu.memory_space<semaphore_mem>>) src(%dma_wait3A_343 : memref<43520x256xf32, #tpu.memory_space<hbm>>) dst(%dma_wait3A_340 : memref<16x256xf32, #tpu.memory_space<vmem>>)
      %dma_wait3A_344 = arith.constant 3 : i32
      %dma_wait3A_345 = arith.constant 0 : i32
      %dma_wait3A_346 = arith.constant 0 : i32
      %dma_wait3A_347 = arith.constant 0 : i32
      %dma_wait3A_348 = tpu.memref_slice %arg8[%dma_wait3A_344, %dma_wait3A_345, %dma_wait3A_346, %dma_wait3A_347] : memref<7x2x16x256xf32, #tpu.memory_space<vmem>> -> memref<1x1x16x256xf32, #tpu.memory_space<vmem>>
      %dma_wait3A_349 = tpu.memref_squeeze %dma_wait3A_348 : memref<1x1x16x256xf32, #tpu.memory_space<vmem>> -> memref<16x256xf32, #tpu.memory_space<vmem>>
      %dma_wait3A_350 = arith.constant 0 : i32
      %dma_wait3A_351 = arith.constant 0 : i32
      %dma_wait3A_352 = tpu.memref_slice %arg2[%dma_wait3A_350, %dma_wait3A_351] : memref<43520x256xf32, #tpu.memory_space<hbm>> -> memref<43520x256xf32, #tpu.memory_space<hbm>>
      tpu.wait_indirect_dma semaphore(%arg10 : memref<!tpu.dma_semaphore, #tpu.memory_space<semaphore_mem>>) src(%dma_wait3A_352 : memref<43520x256xf32, #tpu.memory_space<hbm>>) dst(%dma_wait3A_349 : memref<16x256xf32, #tpu.memory_space<vmem>>)
      %dma_wait3A_353 = arith.constant 3 : i32
      %dma_wait3A_354 = arith.constant 1 : i32
      %dma_wait3A_355 = arith.constant 0 : i32
      %dma_wait3A_356 = arith.constant 0 : i32
      %dma_wait3A_357 = tpu.memref_slice %arg8[%dma_wait3A_353, %dma_wait3A_354, %dma_wait3A_355, %dma_wait3A_356] : memref<7x2x16x256xf32, #tpu.memory_space<vmem>> -> memref<1x1x16x256xf32, #tpu.memory_space<vmem>>
      %dma_wait3A_358 = tpu.memref_squeeze %dma_wait3A_357 : memref<1x1x16x256xf32, #tpu.memory_space<vmem>> -> memref<16x256xf32, #tpu.memory_space<vmem>>
      %dma_wait3A_359 = arith.constant 0 : i32
      %dma_wait3A_360 = arith.constant 0 : i32
      %dma_wait3A_361 = tpu.memref_slice %arg2[%dma_wait3A_359, %dma_wait3A_360] : memref<43520x256xf32, #tpu.memory_space<hbm>> -> memref<43520x256xf32, #tpu.memory_space<hbm>>
      tpu.wait_indirect_dma semaphore(%arg10 : memref<!tpu.dma_semaphore, #tpu.memory_space<semaphore_mem>>) src(%dma_wait3A_361 : memref<43520x256xf32, #tpu.memory_space<hbm>>) dst(%dma_wait3A_358 : memref<16x256xf32, #tpu.memory_space<vmem>>)
      %dma_wait3A_362 = arith.constant 4 : i32
      %dma_wait3A_363 = arith.constant 0 : i32
      %dma_wait3A_364 = arith.constant 0 : i32
      %dma_wait3A_365 = arith.constant 0 : i32
      %dma_wait3A_366 = tpu.memref_slice %arg8[%dma_wait3A_362, %dma_wait3A_363, %dma_wait3A_364, %dma_wait3A_365] : memref<7x2x16x256xf32, #tpu.memory_space<vmem>> -> memref<1x1x16x256xf32, #tpu.memory_space<vmem>>
      %dma_wait3A_367 = tpu.memref_squeeze %dma_wait3A_366 : memref<1x1x16x256xf32, #tpu.memory_space<vmem>> -> memref<16x256xf32, #tpu.memory_space<vmem>>
      %dma_wait3A_368 = arith.constant 0 : i32
      %dma_wait3A_369 = arith.constant 0 : i32
      %dma_wait3A_370 = tpu.memref_slice %arg2[%dma_wait3A_368, %dma_wait3A_369] : memref<43520x256xf32, #tpu.memory_space<hbm>> -> memref<43520x256xf32, #tpu.memory_space<hbm>>
      tpu.wait_indirect_dma semaphore(%arg10 : memref<!tpu.dma_semaphore, #tpu.memory_space<semaphore_mem>>) src(%dma_wait3A_370 : memref<43520x256xf32, #tpu.memory_space<hbm>>) dst(%dma_wait3A_367 : memref<16x256xf32, #tpu.memory_space<vmem>>)
      %dma_wait3A_371 = arith.constant 4 : i32
      %dma_wait3A_372 = arith.constant 1 : i32
      %dma_wait3A_373 = arith.constant 0 : i32
      %dma_wait3A_374 = arith.constant 0 : i32
      %dma_wait3A_375 = tpu.memref_slice %arg8[%dma_wait3A_371, %dma_wait3A_372, %dma_wait3A_373, %dma_wait3A_374] : memref<7x2x16x256xf32, #tpu.memory_space<vmem>> -> memref<1x1x16x256xf32, #tpu.memory_space<vmem>>
      %dma_wait3A_376 = tpu.memref_squeeze %dma_wait3A_375 : memref<1x1x16x256xf32, #tpu.memory_space<vmem>> -> memref<16x256xf32, #tpu.memory_space<vmem>>
      %dma_wait3A_377 = arith.constant 0 : i32
      %dma_wait3A_378 = arith.constant 0 : i32
      %dma_wait3A_379 = tpu.memref_slice %arg2[%dma_wait3A_377, %dma_wait3A_378] : memref<43520x256xf32, #tpu.memory_space<hbm>> -> memref<43520x256xf32, #tpu.memory_space<hbm>>
      tpu.wait_indirect_dma semaphore(%arg10 : memref<!tpu.dma_semaphore, #tpu.memory_space<semaphore_mem>>) src(%dma_wait3A_379 : memref<43520x256xf32, #tpu.memory_space<hbm>>) dst(%dma_wait3A_376 : memref<16x256xf32, #tpu.memory_space<vmem>>)
      %dma_wait3A_380 = arith.constant 5 : i32
      %dma_wait3A_381 = arith.constant 0 : i32
      %dma_wait3A_382 = arith.constant 0 : i32
      %dma_wait3A_383 = arith.constant 0 : i32
      %dma_wait3A_384 = tpu.memref_slice %arg8[%dma_wait3A_380, %dma_wait3A_381, %dma_wait3A_382, %dma_wait3A_383] : memref<7x2x16x256xf32, #tpu.memory_space<vmem>> -> memref<1x1x16x256xf32, #tpu.memory_space<vmem>>
      %dma_wait3A_385 = tpu.memref_squeeze %dma_wait3A_384 : memref<1x1x16x256xf32, #tpu.memory_space<vmem>> -> memref<16x256xf32, #tpu.memory_space<vmem>>
      %dma_wait3A_386 = arith.constant 0 : i32
      %dma_wait3A_387 = arith.constant 0 : i32
      %dma_wait3A_388 = tpu.memref_slice %arg2[%dma_wait3A_386, %dma_wait3A_387] : memref<43520x256xf32, #tpu.memory_space<hbm>> -> memref<43520x256xf32, #tpu.memory_space<hbm>>
      tpu.wait_indirect_dma semaphore(%arg10 : memref<!tpu.dma_semaphore, #tpu.memory_space<semaphore_mem>>) src(%dma_wait3A_388 : memref<43520x256xf32, #tpu.memory_space<hbm>>) dst(%dma_wait3A_385 : memref<16x256xf32, #tpu.memory_space<vmem>>)
      %dma_wait3A_389 = arith.constant 5 : i32
      %dma_wait3A_390 = arith.constant 1 : i32
      %dma_wait3A_391 = arith.constant 0 : i32
      %dma_wait3A_392 = arith.constant 0 : i32
      %dma_wait3A_393 = tpu.memref_slice %arg8[%dma_wait3A_389, %dma_wait3A_390, %dma_wait3A_391, %dma_wait3A_392] : memref<7x2x16x256xf32, #tpu.memory_space<vmem>> -> memref<1x1x16x256xf32, #tpu.memory_space<vmem>>
      %dma_wait3A_394 = tpu.memref_squeeze %dma_wait3A_393 : memref<1x1x16x256xf32, #tpu.memory_space<vmem>> -> memref<16x256xf32, #tpu.memory_space<vmem>>
      %dma_wait3A_395 = arith.constant 0 : i32
      %dma_wait3A_396 = arith.constant 0 : i32
      %dma_wait3A_397 = tpu.memref_slice %arg2[%dma_wait3A_395, %dma_wait3A_396] : memref<43520x256xf32, #tpu.memory_space<hbm>> -> memref<43520x256xf32, #tpu.memory_space<hbm>>
      tpu.wait_indirect_dma semaphore(%arg10 : memref<!tpu.dma_semaphore, #tpu.memory_space<semaphore_mem>>) src(%dma_wait3A_397 : memref<43520x256xf32, #tpu.memory_space<hbm>>) dst(%dma_wait3A_394 : memref<16x256xf32, #tpu.memory_space<vmem>>)
      %dma_wait3A_398 = arith.constant 6 : i32
      %dma_wait3A_399 = arith.constant 0 : i32
      %dma_wait3A_400 = arith.constant 0 : i32
      %dma_wait3A_401 = arith.constant 0 : i32
      %dma_wait3A_402 = tpu.memref_slice %arg8[%dma_wait3A_398, %dma_wait3A_399, %dma_wait3A_400, %dma_wait3A_401] : memref<7x2x16x256xf32, #tpu.memory_space<vmem>> -> memref<1x1x16x256xf32, #tpu.memory_space<vmem>>
      %dma_wait3A_403 = tpu.memref_squeeze %dma_wait3A_402 : memref<1x1x16x256xf32, #tpu.memory_space<vmem>> -> memref<16x256xf32, #tpu.memory_space<vmem>>
      %dma_wait3A_404 = arith.constant 0 : i32
      %dma_wait3A_405 = arith.constant 0 : i32
      %dma_wait3A_406 = tpu.memref_slice %arg2[%dma_wait3A_404, %dma_wait3A_405] : memref<43520x256xf32, #tpu.memory_space<hbm>> -> memref<43520x256xf32, #tpu.memory_space<hbm>>
      tpu.wait_indirect_dma semaphore(%arg10 : memref<!tpu.dma_semaphore, #tpu.memory_space<semaphore_mem>>) src(%dma_wait3A_406 : memref<43520x256xf32, #tpu.memory_space<hbm>>) dst(%dma_wait3A_403 : memref<16x256xf32, #tpu.memory_space<vmem>>)
      %dma_wait3A_407 = arith.constant 6 : i32
      %dma_wait3A_408 = arith.constant 1 : i32
      %dma_wait3A_409 = arith.constant 0 : i32
      %dma_wait3A_410 = arith.constant 0 : i32
      %dma_wait3A_411 = tpu.memref_slice %arg8[%dma_wait3A_407, %dma_wait3A_408, %dma_wait3A_409, %dma_wait3A_410] : memref<7x2x16x256xf32, #tpu.memory_space<vmem>> -> memref<1x1x16x256xf32, #tpu.memory_space<vmem>>
      %dma_wait3A_412 = tpu.memref_squeeze %dma_wait3A_411 : memref<1x1x16x256xf32, #tpu.memory_space<vmem>> -> memref<16x256xf32, #tpu.memory_space<vmem>>
      %dma_wait3A_413 = arith.constant 0 : i32
      %dma_wait3A_414 = arith.constant 0 : i32
      %dma_wait3A_415 = tpu.memref_slice %arg2[%dma_wait3A_413, %dma_wait3A_414] : memref<43520x256xf32, #tpu.memory_space<hbm>> -> memref<43520x256xf32, #tpu.memory_space<hbm>>
      tpu.wait_indirect_dma semaphore(%arg10 : memref<!tpu.dma_semaphore, #tpu.memory_space<semaphore_mem>>) src(%dma_wait3A_415 : memref<43520x256xf32, #tpu.memory_space<hbm>>) dst(%dma_wait3A_412 : memref<16x256xf32, #tpu.memory_space<vmem>>)
      %scan3A_416 = arith.constant 0 : i32
      %scan3A_417 = arith.constant 0 : i32
      %scan3A_418 = arith.constant 7 : i32
      %scan3A_419 = arith.addi %scan3A_417, %scan3A_418 : i32
      %scan3A_420 = arith.constant 1 : i32
      scf.for %scan3A_423 = %scan3A_417 to %scan3A_419 step %scan3A_420  : i32 {
        %broadcast_in_dim3A_424 = vector.broadcast %scan3A_423 : i32 to vector<16xi32>
        %broadcast_in_dim3A_425 = vector.shape_cast %broadcast_in_dim3A_424 : vector<16xi32> to vector<16x1xi32>
        %gather3A_426 = vector.shape_cast %broadcast_in_dim3A_425 : vector<16x1xi32> to vector<16xi32>
        %gather3A_427 = tpu.dynamic_gather %sub3A_49[%gather3A_426] in [0] : vector<16xf32>, vector<16xi32> -> vector<16xf32>
        %broadcast_in_dim3A_428 = vector.shape_cast %broadcast_in_dim3A_424 : vector<16xi32> to vector<16x1xi32>
        %gather3A_429 = vector.shape_cast %broadcast_in_dim3A_428 : vector<16x1xi32> to vector<16xi32>
        %gather3A_430 = tpu.dynamic_gather %select_n3A[%gather3A_429] in [0] : vector<16xf32>, vector<16xi32> -> vector<16xf32>
        %sub3A_431 = arith.constant 1.000000e+00 : f32
        %sub3A_432 = vector.broadcast %sub3A_431 : f32 to vector<16xf32>
        %sub3A_433 = arith.subf %sub3A_432, %gather3A_427 : vector<16xf32>
        %mul3A_434 = arith.mulf %sub3A_433, %gather3A_430 : vector<16xf32>
        %mul3A_435 = arith.mulf %gather3A_427, %gather3A_430 : vector<16xf32>
        %sub3A_436 = arith.constant 1.000000e+00 : f32
        %sub3A_437 = vector.broadcast %sub3A_436 : f32 to vector<16xf32>
        %sub3A_438 = arith.subf %sub3A_437, %sub3A_77 : vector<16xf32>
        %mul3A_439 = arith.mulf %sub3A_438, %select_n3A_69 : vector<16xf32>
        %mul3A_440 = arith.mulf %mul3A_439, %mul3A_434 : vector<16xf32>
        %mul3A_441 = arith.mulf %sub3A_77, %select_n3A_69 : vector<16xf32>
        %mul3A_442 = arith.mulf %mul3A_441, %mul3A_434 : vector<16xf32>
        %sub3A_443 = arith.constant 1.000000e+00 : f32
        %sub3A_444 = vector.broadcast %sub3A_443 : f32 to vector<16xf32>
        %sub3A_445 = arith.subf %sub3A_444, %sub3A_77 : vector<16xf32>
        %mul3A_446 = arith.mulf %sub3A_445, %select_n3A_69 : vector<16xf32>
        %mul3A_447 = arith.mulf %mul3A_446, %mul3A_435 : vector<16xf32>
        %mul3A_448 = arith.mulf %sub3A_77, %select_n3A_69 : vector<16xf32>
        %mul3A_449 = arith.mulf %mul3A_448, %mul3A_435 : vector<16xf32>
        %scan3A_450 = arith.constant 0 : i32
        %scan3A_451 = arith.constant 0 : i32
        %scan3A_452 = arith.constant 7 : i32
        %scan3A_453 = arith.addi %scan3A_451, %scan3A_452 : i32
        %scan3A_454 = arith.constant 1 : i32
        scf.for %scan3A_456 = %scan3A_451 to %scan3A_453 step %scan3A_454  : i32 {
          %broadcast_in_dim3A_457 = vector.broadcast %scan3A_456 : i32 to vector<16xi32>
          %broadcast_in_dim3A_458 = vector.shape_cast %broadcast_in_dim3A_457 : vector<16xi32> to vector<16x1xi32>
          %gather3A_459 = vector.shape_cast %broadcast_in_dim3A_458 : vector<16x1xi32> to vector<16xi32>
          %gather3A_460 = tpu.dynamic_gather %mul3A_440[%gather3A_459] in [0] : vector<16xf32>, vector<16xi32> -> vector<16xf32>
          %broadcast_in_dim3A_461 = vector.shape_cast %broadcast_in_dim3A_457 : vector<16xi32> to vector<16x1xi32>
          %gather3A_462 = vector.shape_cast %broadcast_in_dim3A_461 : vector<16x1xi32> to vector<16xi32>
          %gather3A_463 = tpu.dynamic_gather %mul3A_442[%gather3A_462] in [0] : vector<16xf32>, vector<16xi32> -> vector<16xf32>
          %broadcast_in_dim3A_464 = vector.shape_cast %broadcast_in_dim3A_457 : vector<16xi32> to vector<16x1xi32>
          %gather3A_465 = vector.shape_cast %broadcast_in_dim3A_464 : vector<16x1xi32> to vector<16xi32>
          %gather3A_466 = tpu.dynamic_gather %mul3A_447[%gather3A_465] in [0] : vector<16xf32>, vector<16xi32> -> vector<16xf32>
          %broadcast_in_dim3A_467 = vector.shape_cast %broadcast_in_dim3A_457 : vector<16xi32> to vector<16x1xi32>
          %gather3A_468 = vector.shape_cast %broadcast_in_dim3A_467 : vector<16x1xi32> to vector<16xi32>
          %gather3A_469 = tpu.dynamic_gather %mul3A_449[%gather3A_468] in [0] : vector<16xf32>, vector<16xi32> -> vector<16xf32>
          %get3A_470 = arith.constant 0 : i32
          %get3A_471 = arith.index_cast %scan3A_423 : i32 to index
          %get3A_472 = arith.index_cast %get3A_470 : i32 to index
          %get3A_473 = arith.index_cast %scan3A_456 : i32 to index
          %get3A_474 = arith.constant 0 : index
          %get3A_475 = tpu.vector_load %arg8[%get3A_471, %get3A_472, %get3A_473, %get3A_474] {strides = array<i32>} : memref<7x2x16x256xf32, #tpu.memory_space<vmem>>, vector<1x1x1x16xf32>,
          %get3A_476 = vector.shape_cast %get3A_475 : vector<1x1x1x16xf32> to vector<16xf32>
          %add3A_477 = arith.constant 7 : i32
          %add3A_478 = arith.addi %scan3A_456, %add3A_477 : i32
          %get3A_479 = arith.constant 0 : i32
          %get3A_480 = arith.index_cast %scan3A_423 : i32 to index
          %get3A_481 = arith.index_cast %get3A_479 : i32 to index
          %get3A_482 = arith.index_cast %add3A_478 : i32 to index
          %get3A_483 = arith.constant 0 : index
          %get3A_484 = tpu.vector_load %arg8[%get3A_480, %get3A_481, %get3A_482, %get3A_483] {strides = array<i32>} : memref<7x2x16x256xf32, #tpu.memory_space<vmem>>, vector<1x1x1x16xf32>,
          %get3A_485 = vector.shape_cast %get3A_484 : vector<1x1x1x16xf32> to vector<16xf32>
          %get3A_486 = arith.constant 1 : i32
          %get3A_487 = arith.index_cast %scan3A_423 : i32 to index
          %get3A_488 = arith.index_cast %get3A_486 : i32 to index
          %get3A_489 = arith.index_cast %scan3A_456 : i32 to index
          %get3A_490 = arith.constant 0 : index
          %get3A_491 = tpu.vector_load %arg8[%get3A_487, %get3A_488, %get3A_489, %get3A_490] {strides = array<i32>} : memref<7x2x16x256xf32, #tpu.memory_space<vmem>>, vector<1x1x1x16xf32>,
          %get3A_492 = vector.shape_cast %get3A_491 : vector<1x1x1x16xf32> to vector<16xf32>
          %add3A_493 = arith.constant 7 : i32
          %add3A_494 = arith.addi %scan3A_456, %add3A_493 : i32
          %get3A_495 = arith.constant 1 : i32
          %get3A_496 = arith.index_cast %scan3A_423 : i32 to index
          %get3A_497 = arith.index_cast %get3A_495 : i32 to index
          %get3A_498 = arith.index_cast %add3A_494 : i32 to index
          %get3A_499 = arith.constant 0 : index
          %get3A_500 = tpu.vector_load %arg8[%get3A_496, %get3A_497, %get3A_498, %get3A_499] {strides = array<i32>} : memref<7x2x16x256xf32, #tpu.memory_space<vmem>>, vector<1x1x1x16xf32>,
          %get3A_501 = vector.shape_cast %get3A_500 : vector<1x1x1x16xf32> to vector<16xf32>
          %mul3A_502 = arith.mulf %get3A_476, %gather3A_460 : vector<16xf32>
          %mul3A_503 = arith.mulf %get3A_485, %gather3A_463 : vector<16xf32>
          %add3A_504 = arith.addf %mul3A_502, %mul3A_503 : vector<16xf32>
          %mul3A_505 = arith.mulf %get3A_492, %gather3A_466 : vector<16xf32>
          %add3A_506 = arith.addf %add3A_504, %mul3A_505 : vector<16xf32>
          %mul3A_507 = arith.mulf %get3A_501, %gather3A_469 : vector<16xf32>
          %add3A_508 = arith.addf %add3A_506, %mul3A_507 : vector<16xf32>
          %swap3A = arith.index_cast %scan3A_423 : i32 to index
          %swap3A_509 = arith.index_cast %scan3A_456 : i32 to index
          %swap3A_510 = arith.constant 0 : index
          %swap3A_511 = tpu.vector_load %arg9[%swap3A, %swap3A_509, %swap3A_510] {strides = array<i32>} : memref<7x7x256xf32, #tpu.memory_space<vmem>>, vector<1x1x16xf32>,
          %swap3A_512 = vector.shape_cast %swap3A_511 : vector<1x1x16xf32> to vector<16xf32>
          %swap3A_513 = vector.shape_cast %add3A_508 : vector<16xf32> to vector<1x1x16xf32>
          tpu.vector_store %arg9[%swap3A, %swap3A_509, %swap3A_510], %swap3A_513 {strides = array<i32>} : memref<7x7x256xf32, #tpu.memory_space<vmem>>, vector<1x1x16xf32>,
          %get3A_514 = arith.constant 0 : i32
          %get3A_515 = arith.index_cast %scan3A_423 : i32 to index
          %get3A_516 = arith.index_cast %get3A_514 : i32 to index
          %get3A_517 = arith.index_cast %scan3A_456 : i32 to index
          %get3A_518 = arith.constant 16 : index
          %get3A_519 = tpu.vector_load %arg8[%get3A_515, %get3A_516, %get3A_517, %get3A_518] {strides = array<i32>} : memref<7x2x16x256xf32, #tpu.memory_space<vmem>>, vector<1x1x1x16xf32>,
          %get3A_520 = vector.shape_cast %get3A_519 : vector<1x1x1x16xf32> to vector<16xf32>
          %add3A_521 = arith.constant 7 : i32
          %add3A_522 = arith.addi %scan3A_456, %add3A_521 : i32
          %get3A_523 = arith.constant 0 : i32
          %get3A_524 = arith.index_cast %scan3A_423 : i32 to index
          %get3A_525 = arith.index_cast %get3A_523 : i32 to index
          %get3A_526 = arith.index_cast %add3A_522 : i32 to index
          %get3A_527 = arith.constant 16 : index
          %get3A_528 = tpu.vector_load %arg8[%get3A_524, %get3A_525, %get3A_526, %get3A_527] {strides = array<i32>} : memref<7x2x16x256xf32, #tpu.memory_space<vmem>>, vector<1x1x1x16xf32>,
          %get3A_529 = vector.shape_cast %get3A_528 : vector<1x1x1x16xf32> to vector<16xf32>
          %get3A_530 = arith.constant 1 : i32
          %get3A_531 = arith.index_cast %scan3A_423 : i32 to index
          %get3A_532 = arith.index_cast %get3A_530 : i32 to index
          %get3A_533 = arith.index_cast %scan3A_456 : i32 to index
          %get3A_534 = arith.constant 16 : index
          %get3A_535 = tpu.vector_load %arg8[%get3A_531, %get3A_532, %get3A_533, %get3A_534] {strides = array<i32>} : memref<7x2x16x256xf32, #tpu.memory_space<vmem>>, vector<1x1x1x16xf32>,
          %get3A_536 = vector.shape_cast %get3A_535 : vector<1x1x1x16xf32> to vector<16xf32>
          %add3A_537 = arith.constant 7 : i32
          %add3A_538 = arith.addi %scan3A_456, %add3A_537 : i32
          %get3A_539 = arith.constant 1 : i32
          %get3A_540 = arith.index_cast %scan3A_423 : i32 to index
          %get3A_541 = arith.index_cast %get3A_539 : i32 to index
          %get3A_542 = arith.index_cast %add3A_538 : i32 to index
          %get3A_543 = arith.constant 16 : index
          %get3A_544 = tpu.vector_load %arg8[%get3A_540, %get3A_541, %get3A_542, %get3A_543] {strides = array<i32>} : memref<7x2x16x256xf32, #tpu.memory_space<vmem>>, vector<1x1x1x16xf32>,
          %get3A_545 = vector.shape_cast %get3A_544 : vector<1x1x1x16xf32> to vector<16xf32>
          %mul3A_546 = arith.mulf %get3A_520, %gather3A_460 : vector<16xf32>
          %mul3A_547 = arith.mulf %get3A_529, %gather3A_463 : vector<16xf32>
          %add3A_548 = arith.addf %mul3A_546, %mul3A_547 : vector<16xf32>
          %mul3A_549 = arith.mulf %get3A_536, %gather3A_466 : vector<16xf32>
          %add3A_550 = arith.addf %add3A_548, %mul3A_549 : vector<16xf32>
          %mul3A_551 = arith.mulf %get3A_545, %gather3A_469 : vector<16xf32>
          %add3A_552 = arith.addf %add3A_550, %mul3A_551 : vector<16xf32>
          %swap3A_553 = arith.index_cast %scan3A_423 : i32 to index
          %swap3A_554 = arith.index_cast %scan3A_456 : i32 to index
          %swap3A_555 = arith.constant 16 : index
          %swap3A_556 = tpu.vector_load %arg9[%swap3A_553, %swap3A_554, %swap3A_555] {strides = array<i32>} : memref<7x7x256xf32, #tpu.memory_space<vmem>>, vector<1x1x16xf32>,
          %swap3A_557 = vector.shape_cast %swap3A_556 : vector<1x1x16xf32> to vector<16xf32>
          %swap3A_558 = vector.shape_cast %add3A_552 : vector<16xf32> to vector<1x1x16xf32>
          tpu.vector_store %arg9[%swap3A_553, %swap3A_554, %swap3A_555], %swap3A_558 {strides = array<i32>} : memref<7x7x256xf32, #tpu.memory_space<vmem>>, vector<1x1x16xf32>,
          %get3A_559 = arith.constant 0 : i32
          %get3A_560 = arith.index_cast %scan3A_423 : i32 to index
          %get3A_561 = arith.index_cast %get3A_559 : i32 to index
          %get3A_562 = arith.index_cast %scan3A_456 : i32 to index
          %get3A_563 = arith.constant 32 : index
          %get3A_564 = tpu.vector_load %arg8[%get3A_560, %get3A_561, %get3A_562, %get3A_563] {strides = array<i32>} : memref<7x2x16x256xf32, #tpu.memory_space<vmem>>, vector<1x1x1x16xf32>,
          %get3A_565 = vector.shape_cast %get3A_564 : vector<1x1x1x16xf32> to vector<16xf32>
          %add3A_566 = arith.constant 7 : i32
          %add3A_567 = arith.addi %scan3A_456, %add3A_566 : i32
          %get3A_568 = arith.constant 0 : i32
          %get3A_569 = arith.index_cast %scan3A_423 : i32 to index
          %get3A_570 = arith.index_cast %get3A_568 : i32 to index
          %get3A_571 = arith.index_cast %add3A_567 : i32 to index
          %get3A_572 = arith.constant 32 : index
          %get3A_573 = tpu.vector_load %arg8[%get3A_569, %get3A_570, %get3A_571, %get3A_572] {strides = array<i32>} : memref<7x2x16x256xf32, #tpu.memory_space<vmem>>, vector<1x1x1x16xf32>,
          %get3A_574 = vector.shape_cast %get3A_573 : vector<1x1x1x16xf32> to vector<16xf32>
          %get3A_575 = arith.constant 1 : i32
          %get3A_576 = arith.index_cast %scan3A_423 : i32 to index
          %get3A_577 = arith.index_cast %get3A_575 : i32 to index
          %get3A_578 = arith.index_cast %scan3A_456 : i32 to index
          %get3A_579 = arith.constant 32 : index
          %get3A_580 = tpu.vector_load %arg8[%get3A_576, %get3A_577, %get3A_578, %get3A_579] {strides = array<i32>} : memref<7x2x16x256xf32, #tpu.memory_space<vmem>>, vector<1x1x1x16xf32>,
          %get3A_581 = vector.shape_cast %get3A_580 : vector<1x1x1x16xf32> to vector<16xf32>
          %add3A_582 = arith.constant 7 : i32
          %add3A_583 = arith.addi %scan3A_456, %add3A_582 : i32
          %get3A_584 = arith.constant 1 : i32
          %get3A_585 = arith.index_cast %scan3A_423 : i32 to index
          %get3A_586 = arith.index_cast %get3A_584 : i32 to index
          %get3A_587 = arith.index_cast %add3A_583 : i32 to index
          %get3A_588 = arith.constant 32 : index
          %get3A_589 = tpu.vector_load %arg8[%get3A_585, %get3A_586, %get3A_587, %get3A_588] {strides = array<i32>} : memref<7x2x16x256xf32, #tpu.memory_space<vmem>>, vector<1x1x1x16xf32>,
          %get3A_590 = vector.shape_cast %get3A_589 : vector<1x1x1x16xf32> to vector<16xf32>
          %mul3A_591 = arith.mulf %get3A_565, %gather3A_460 : vector<16xf32>
          %mul3A_592 = arith.mulf %get3A_574, %gather3A_463 : vector<16xf32>
          %add3A_593 = arith.addf %mul3A_591, %mul3A_592 : vector<16xf32>
          %mul3A_594 = arith.mulf %get3A_581, %gather3A_466 : vector<16xf32>
          %add3A_595 = arith.addf %add3A_593, %mul3A_594 : vector<16xf32>
          %mul3A_596 = arith.mulf %get3A_590, %gather3A_469 : vector<16xf32>
          %add3A_597 = arith.addf %add3A_595, %mul3A_596 : vector<16xf32>
          %swap3A_598 = arith.index_cast %scan3A_423 : i32 to index
          %swap3A_599 = arith.index_cast %scan3A_456 : i32 to index
          %swap3A_600 = arith.constant 32 : index
          %swap3A_601 = tpu.vector_load %arg9[%swap3A_598, %swap3A_599, %swap3A_600] {strides = array<i32>} : memref<7x7x256xf32, #tpu.memory_space<vmem>>, vector<1x1x16xf32>,
          %swap3A_602 = vector.shape_cast %swap3A_601 : vector<1x1x16xf32> to vector<16xf32>
          %swap3A_603 = vector.shape_cast %add3A_597 : vector<16xf32> to vector<1x1x16xf32>
          tpu.vector_store %arg9[%swap3A_598, %swap3A_599, %swap3A_600], %swap3A_603 {strides = array<i32>} : memref<7x7x256xf32, #tpu.memory_space<vmem>>, vector<1x1x16xf32>,
          %get3A_604 = arith.constant 0 : i32
          %get3A_605 = arith.index_cast %scan3A_423 : i32 to index
          %get3A_606 = arith.index_cast %get3A_604 : i32 to index
          %get3A_607 = arith.index_cast %scan3A_456 : i32 to index
          %get3A_608 = arith.constant 48 : index
          %get3A_609 = tpu.vector_load %arg8[%get3A_605, %get3A_606, %get3A_607, %get3A_608] {strides = array<i32>} : memref<7x2x16x256xf32, #tpu.memory_space<vmem>>, vector<1x1x1x16xf32>,
          %get3A_610 = vector.shape_cast %get3A_609 : vector<1x1x1x16xf32> to vector<16xf32>
          %add3A_611 = arith.constant 7 : i32
          %add3A_612 = arith.addi %scan3A_456, %add3A_611 : i32
          %get3A_613 = arith.constant 0 : i32
          %get3A_614 = arith.index_cast %scan3A_423 : i32 to index
          %get3A_615 = arith.index_cast %get3A_613 : i32 to index
          %get3A_616 = arith.index_cast %add3A_612 : i32 to index
          %get3A_617 = arith.constant 48 : index
          %get3A_618 = tpu.vector_load %arg8[%get3A_614, %get3A_615, %get3A_616, %get3A_617] {strides = array<i32>} : memref<7x2x16x256xf32, #tpu.memory_space<vmem>>, vector<1x1x1x16xf32>,
          %get3A_619 = vector.shape_cast %get3A_618 : vector<1x1x1x16xf32> to vector<16xf32>
          %get3A_620 = arith.constant 1 : i32
          %get3A_621 = arith.index_cast %scan3A_423 : i32 to index
          %get3A_622 = arith.index_cast %get3A_620 : i32 to index
          %get3A_623 = arith.index_cast %scan3A_456 : i32 to index
          %get3A_624 = arith.constant 48 : index
          %get3A_625 = tpu.vector_load %arg8[%get3A_621, %get3A_622, %get3A_623, %get3A_624] {strides = array<i32>} : memref<7x2x16x256xf32, #tpu.memory_space<vmem>>, vector<1x1x1x16xf32>,
          %get3A_626 = vector.shape_cast %get3A_625 : vector<1x1x1x16xf32> to vector<16xf32>
          %add3A_627 = arith.constant 7 : i32
          %add3A_628 = arith.addi %scan3A_456, %add3A_627 : i32
          %get3A_629 = arith.constant 1 : i32
          %get3A_630 = arith.index_cast %scan3A_423 : i32 to index
          %get3A_631 = arith.index_cast %get3A_629 : i32 to index
          %get3A_632 = arith.index_cast %add3A_628 : i32 to index
          %get3A_633 = arith.constant 48 : index
          %get3A_634 = tpu.vector_load %arg8[%get3A_630, %get3A_631, %get3A_632, %get3A_633] {strides = array<i32>} : memref<7x2x16x256xf32, #tpu.memory_space<vmem>>, vector<1x1x1x16xf32>,
          %get3A_635 = vector.shape_cast %get3A_634 : vector<1x1x1x16xf32> to vector<16xf32>
          %mul3A_636 = arith.mulf %get3A_610, %gather3A_460 : vector<16xf32>
          %mul3A_637 = arith.mulf %get3A_619, %gather3A_463 : vector<16xf32>
          %add3A_638 = arith.addf %mul3A_636, %mul3A_637 : vector<16xf32>
          %mul3A_639 = arith.mulf %get3A_626, %gather3A_466 : vector<16xf32>
          %add3A_640 = arith.addf %add3A_638, %mul3A_639 : vector<16xf32>
          %mul3A_641 = arith.mulf %get3A_635, %gather3A_469 : vector<16xf32>
          %add3A_642 = arith.addf %add3A_640, %mul3A_641 : vector<16xf32>
          %swap3A_643 = arith.index_cast %scan3A_423 : i32 to index
          %swap3A_644 = arith.index_cast %scan3A_456 : i32 to index
          %swap3A_645 = arith.constant 48 : index
          %swap3A_646 = tpu.vector_load %arg9[%swap3A_643, %swap3A_644, %swap3A_645] {strides = array<i32>} : memref<7x7x256xf32, #tpu.memory_space<vmem>>, vector<1x1x16xf32>,
          %swap3A_647 = vector.shape_cast %swap3A_646 : vector<1x1x16xf32> to vector<16xf32>
          %swap3A_648 = vector.shape_cast %add3A_642 : vector<16xf32> to vector<1x1x16xf32>
          tpu.vector_store %arg9[%swap3A_643, %swap3A_644, %swap3A_645], %swap3A_648 {strides = array<i32>} : memref<7x7x256xf32, #tpu.memory_space<vmem>>, vector<1x1x16xf32>,
          %get3A_649 = arith.constant 0 : i32
          %get3A_650 = arith.index_cast %scan3A_423 : i32 to index
          %get3A_651 = arith.index_cast %get3A_649 : i32 to index
          %get3A_652 = arith.index_cast %scan3A_456 : i32 to index
          %get3A_653 = arith.constant 64 : index
          %get3A_654 = tpu.vector_load %arg8[%get3A_650, %get3A_651, %get3A_652, %get3A_653] {strides = array<i32>} : memref<7x2x16x256xf32, #tpu.memory_space<vmem>>, vector<1x1x1x16xf32>,
          %get3A_655 = vector.shape_cast %get3A_654 : vector<1x1x1x16xf32> to vector<16xf32>
          %add3A_656 = arith.constant 7 : i32
          %add3A_657 = arith.addi %scan3A_456, %add3A_656 : i32
          %get3A_658 = arith.constant 0 : i32
          %get3A_659 = arith.index_cast %scan3A_423 : i32 to index
          %get3A_660 = arith.index_cast %get3A_658 : i32 to index
          %get3A_661 = arith.index_cast %add3A_657 : i32 to index
          %get3A_662 = arith.constant 64 : index
          %get3A_663 = tpu.vector_load %arg8[%get3A_659, %get3A_660, %get3A_661, %get3A_662] {strides = array<i32>} : memref<7x2x16x256xf32, #tpu.memory_space<vmem>>, vector<1x1x1x16xf32>,
          %get3A_664 = vector.shape_cast %get3A_663 : vector<1x1x1x16xf32> to vector<16xf32>
          %get3A_665 = arith.constant 1 : i32
          %get3A_666 = arith.index_cast %scan3A_423 : i32 to index
          %get3A_667 = arith.index_cast %get3A_665 : i32 to index
          %get3A_668 = arith.index_cast %scan3A_456 : i32 to index
          %get3A_669 = arith.constant 64 : index
          %get3A_670 = tpu.vector_load %arg8[%get3A_666, %get3A_667, %get3A_668, %get3A_669] {strides = array<i32>} : memref<7x2x16x256xf32, #tpu.memory_space<vmem>>, vector<1x1x1x16xf32>,
          %get3A_671 = vector.shape_cast %get3A_670 : vector<1x1x1x16xf32> to vector<16xf32>
          %add3A_672 = arith.constant 7 : i32
          %add3A_673 = arith.addi %scan3A_456, %add3A_672 : i32
          %get3A_674 = arith.constant 1 : i32
          %get3A_675 = arith.index_cast %scan3A_423 : i32 to index
          %get3A_676 = arith.index_cast %get3A_674 : i32 to index
          %get3A_677 = arith.index_cast %add3A_673 : i32 to index
          %get3A_678 = arith.constant 64 : index
          %get3A_679 = tpu.vector_load %arg8[%get3A_675, %get3A_676, %get3A_677, %get3A_678] {strides = array<i32>} : memref<7x2x16x256xf32, #tpu.memory_space<vmem>>, vector<1x1x1x16xf32>,
          %get3A_680 = vector.shape_cast %get3A_679 : vector<1x1x1x16xf32> to vector<16xf32>
          %mul3A_681 = arith.mulf %get3A_655, %gather3A_460 : vector<16xf32>
          %mul3A_682 = arith.mulf %get3A_664, %gather3A_463 : vector<16xf32>
          %add3A_683 = arith.addf %mul3A_681, %mul3A_682 : vector<16xf32>
          %mul3A_684 = arith.mulf %get3A_671, %gather3A_466 : vector<16xf32>
          %add3A_685 = arith.addf %add3A_683, %mul3A_684 : vector<16xf32>
          %mul3A_686 = arith.mulf %get3A_680, %gather3A_469 : vector<16xf32>
          %add3A_687 = arith.addf %add3A_685, %mul3A_686 : vector<16xf32>
          %swap3A_688 = arith.index_cast %scan3A_423 : i32 to index
          %swap3A_689 = arith.index_cast %scan3A_456 : i32 to index
          %swap3A_690 = arith.constant 64 : index
          %swap3A_691 = tpu.vector_load %arg9[%swap3A_688, %swap3A_689, %swap3A_690] {strides = array<i32>} : memref<7x7x256xf32, #tpu.memory_space<vmem>>, vector<1x1x16xf32>,
          %swap3A_692 = vector.shape_cast %swap3A_691 : vector<1x1x16xf32> to vector<16xf32>
          %swap3A_693 = vector.shape_cast %add3A_687 : vector<16xf32> to vector<1x1x16xf32>
          tpu.vector_store %arg9[%swap3A_688, %swap3A_689, %swap3A_690], %swap3A_693 {strides = array<i32>} : memref<7x7x256xf32, #tpu.memory_space<vmem>>, vector<1x1x16xf32>,
          %get3A_694 = arith.constant 0 : i32
          %get3A_695 = arith.index_cast %scan3A_423 : i32 to index
          %get3A_696 = arith.index_cast %get3A_694 : i32 to index
          %get3A_697 = arith.index_cast %scan3A_456 : i32 to index
          %get3A_698 = arith.constant 80 : index
          %get3A_699 = tpu.vector_load %arg8[%get3A_695, %get3A_696, %get3A_697, %get3A_698] {strides = array<i32>} : memref<7x2x16x256xf32, #tpu.memory_space<vmem>>, vector<1x1x1x16xf32>,
          %get3A_700 = vector.shape_cast %get3A_699 : vector<1x1x1x16xf32> to vector<16xf32>
          %add3A_701 = arith.constant 7 : i32
          %add3A_702 = arith.addi %scan3A_456, %add3A_701 : i32
          %get3A_703 = arith.constant 0 : i32
          %get3A_704 = arith.index_cast %scan3A_423 : i32 to index
          %get3A_705 = arith.index_cast %get3A_703 : i32 to index
          %get3A_706 = arith.index_cast %add3A_702 : i32 to index
          %get3A_707 = arith.constant 80 : index
          %get3A_708 = tpu.vector_load %arg8[%get3A_704, %get3A_705, %get3A_706, %get3A_707] {strides = array<i32>} : memref<7x2x16x256xf32, #tpu.memory_space<vmem>>, vector<1x1x1x16xf32>,
          %get3A_709 = vector.shape_cast %get3A_708 : vector<1x1x1x16xf32> to vector<16xf32>
          %get3A_710 = arith.constant 1 : i32
          %get3A_711 = arith.index_cast %scan3A_423 : i32 to index
          %get3A_712 = arith.index_cast %get3A_710 : i32 to index
          %get3A_713 = arith.index_cast %scan3A_456 : i32 to index
          %get3A_714 = arith.constant 80 : index
          %get3A_715 = tpu.vector_load %arg8[%get3A_711, %get3A_712, %get3A_713, %get3A_714] {strides = array<i32>} : memref<7x2x16x256xf32, #tpu.memory_space<vmem>>, vector<1x1x1x16xf32>,
          %get3A_716 = vector.shape_cast %get3A_715 : vector<1x1x1x16xf32> to vector<16xf32>
          %add3A_717 = arith.constant 7 : i32
          %add3A_718 = arith.addi %scan3A_456, %add3A_717 : i32
          %get3A_719 = arith.constant 1 : i32
          %get3A_720 = arith.index_cast %scan3A_423 : i32 to index
          %get3A_721 = arith.index_cast %get3A_719 : i32 to index
          %get3A_722 = arith.index_cast %add3A_718 : i32 to index
          %get3A_723 = arith.constant 80 : index
          %get3A_724 = tpu.vector_load %arg8[%get3A_720, %get3A_721, %get3A_722, %get3A_723] {strides = array<i32>} : memref<7x2x16x256xf32, #tpu.memory_space<vmem>>, vector<1x1x1x16xf32>,
          %get3A_725 = vector.shape_cast %get3A_724 : vector<1x1x1x16xf32> to vector<16xf32>
          %mul3A_726 = arith.mulf %get3A_700, %gather3A_460 : vector<16xf32>
          %mul3A_727 = arith.mulf %get3A_709, %gather3A_463 : vector<16xf32>
          %add3A_728 = arith.addf %mul3A_726, %mul3A_727 : vector<16xf32>
          %mul3A_729 = arith.mulf %get3A_716, %gather3A_466 : vector<16xf32>
          %add3A_730 = arith.addf %add3A_728, %mul3A_729 : vector<16xf32>
          %mul3A_731 = arith.mulf %get3A_725, %gather3A_469 : vector<16xf32>
          %add3A_732 = arith.addf %add3A_730, %mul3A_731 : vector<16xf32>
          %swap3A_733 = arith.index_cast %scan3A_423 : i32 to index
          %swap3A_734 = arith.index_cast %scan3A_456 : i32 to index
          %swap3A_735 = arith.constant 80 : index
          %swap3A_736 = tpu.vector_load %arg9[%swap3A_733, %swap3A_734, %swap3A_735] {strides = array<i32>} : memref<7x7x256xf32, #tpu.memory_space<vmem>>, vector<1x1x16xf32>,
          %swap3A_737 = vector.shape_cast %swap3A_736 : vector<1x1x16xf32> to vector<16xf32>
          %swap3A_738 = vector.shape_cast %add3A_732 : vector<16xf32> to vector<1x1x16xf32>
          tpu.vector_store %arg9[%swap3A_733, %swap3A_734, %swap3A_735], %swap3A_738 {strides = array<i32>} : memref<7x7x256xf32, #tpu.memory_space<vmem>>, vector<1x1x16xf32>,
          %get3A_739 = arith.constant 0 : i32
          %get3A_740 = arith.index_cast %scan3A_423 : i32 to index
          %get3A_741 = arith.index_cast %get3A_739 : i32 to index
          %get3A_742 = arith.index_cast %scan3A_456 : i32 to index
          %get3A_743 = arith.constant 96 : index
          %get3A_744 = tpu.vector_load %arg8[%get3A_740, %get3A_741, %get3A_742, %get3A_743] {strides = array<i32>} : memref<7x2x16x256xf32, #tpu.memory_space<vmem>>, vector<1x1x1x16xf32>,
          %get3A_745 = vector.shape_cast %get3A_744 : vector<1x1x1x16xf32> to vector<16xf32>
          %add3A_746 = arith.constant 7 : i32
          %add3A_747 = arith.addi %scan3A_456, %add3A_746 : i32
          %get3A_748 = arith.constant 0 : i32
          %get3A_749 = arith.index_cast %scan3A_423 : i32 to index
          %get3A_750 = arith.index_cast %get3A_748 : i32 to index
          %get3A_751 = arith.index_cast %add3A_747 : i32 to index
          %get3A_752 = arith.constant 96 : index
          %get3A_753 = tpu.vector_load %arg8[%get3A_749, %get3A_750, %get3A_751, %get3A_752] {strides = array<i32>} : memref<7x2x16x256xf32, #tpu.memory_space<vmem>>, vector<1x1x1x16xf32>,
          %get3A_754 = vector.shape_cast %get3A_753 : vector<1x1x1x16xf32> to vector<16xf32>
          %get3A_755 = arith.constant 1 : i32
          %get3A_756 = arith.index_cast %scan3A_423 : i32 to index
          %get3A_757 = arith.index_cast %get3A_755 : i32 to index
          %get3A_758 = arith.index_cast %scan3A_456 : i32 to index
          %get3A_759 = arith.constant 96 : index
          %get3A_760 = tpu.vector_load %arg8[%get3A_756, %get3A_757, %get3A_758, %get3A_759] {strides = array<i32>} : memref<7x2x16x256xf32, #tpu.memory_space<vmem>>, vector<1x1x1x16xf32>,
          %get3A_761 = vector.shape_cast %get3A_760 : vector<1x1x1x16xf32> to vector<16xf32>
          %add3A_762 = arith.constant 7 : i32
          %add3A_763 = arith.addi %scan3A_456, %add3A_762 : i32
          %get3A_764 = arith.constant 1 : i32
          %get3A_765 = arith.index_cast %scan3A_423 : i32 to index
          %get3A_766 = arith.index_cast %get3A_764 : i32 to index
          %get3A_767 = arith.index_cast %add3A_763 : i32 to index
          %get3A_768 = arith.constant 96 : index
          %get3A_769 = tpu.vector_load %arg8[%get3A_765, %get3A_766, %get3A_767, %get3A_768] {strides = array<i32>} : memref<7x2x16x256xf32, #tpu.memory_space<vmem>>, vector<1x1x1x16xf32>,
          %get3A_770 = vector.shape_cast %get3A_769 : vector<1x1x1x16xf32> to vector<16xf32>
          %mul3A_771 = arith.mulf %get3A_745, %gather3A_460 : vector<16xf32>
          %mul3A_772 = arith.mulf %get3A_754, %gather3A_463 : vector<16xf32>
          %add3A_773 = arith.addf %mul3A_771, %mul3A_772 : vector<16xf32>
          %mul3A_774 = arith.mulf %get3A_761, %gather3A_466 : vector<16xf32>
          %add3A_775 = arith.addf %add3A_773, %mul3A_774 : vector<16xf32>
          %mul3A_776 = arith.mulf %get3A_770, %gather3A_469 : vector<16xf32>
          %add3A_777 = arith.addf %add3A_775, %mul3A_776 : vector<16xf32>
          %swap3A_778 = arith.index_cast %scan3A_423 : i32 to index
          %swap3A_779 = arith.index_cast %scan3A_456 : i32 to index
          %swap3A_780 = arith.constant 96 : index
          %swap3A_781 = tpu.vector_load %arg9[%swap3A_778, %swap3A_779, %swap3A_780] {strides = array<i32>} : memref<7x7x256xf32, #tpu.memory_space<vmem>>, vector<1x1x16xf32>,
          %swap3A_782 = vector.shape_cast %swap3A_781 : vector<1x1x16xf32> to vector<16xf32>
          %swap3A_783 = vector.shape_cast %add3A_777 : vector<16xf32> to vector<1x1x16xf32>
          tpu.vector_store %arg9[%swap3A_778, %swap3A_779, %swap3A_780], %swap3A_783 {strides = array<i32>} : memref<7x7x256xf32, #tpu.memory_space<vmem>>, vector<1x1x16xf32>,
          %get3A_784 = arith.constant 0 : i32
          %get3A_785 = arith.index_cast %scan3A_423 : i32 to index
          %get3A_786 = arith.index_cast %get3A_784 : i32 to index
          %get3A_787 = arith.index_cast %scan3A_456 : i32 to index
          %get3A_788 = arith.constant 112 : index
          %get3A_789 = tpu.vector_load %arg8[%get3A_785, %get3A_786, %get3A_787, %get3A_788] {strides = array<i32>} : memref<7x2x16x256xf32, #tpu.memory_space<vmem>>, vector<1x1x1x16xf32>,
          %get3A_790 = vector.shape_cast %get3A_789 : vector<1x1x1x16xf32> to vector<16xf32>
          %add3A_791 = arith.constant 7 : i32
          %add3A_792 = arith.addi %scan3A_456, %add3A_791 : i32
          %get3A_793 = arith.constant 0 : i32
          %get3A_794 = arith.index_cast %scan3A_423 : i32 to index
          %get3A_795 = arith.index_cast %get3A_793 : i32 to index
          %get3A_796 = arith.index_cast %add3A_792 : i32 to index
          %get3A_797 = arith.constant 112 : index
          %get3A_798 = tpu.vector_load %arg8[%get3A_794, %get3A_795, %get3A_796, %get3A_797] {strides = array<i32>} : memref<7x2x16x256xf32, #tpu.memory_space<vmem>>, vector<1x1x1x16xf32>,
          %get3A_799 = vector.shape_cast %get3A_798 : vector<1x1x1x16xf32> to vector<16xf32>
          %get3A_800 = arith.constant 1 : i32
          %get3A_801 = arith.index_cast %scan3A_423 : i32 to index
          %get3A_802 = arith.index_cast %get3A_800 : i32 to index
          %get3A_803 = arith.index_cast %scan3A_456 : i32 to index
          %get3A_804 = arith.constant 112 : index
          %get3A_805 = tpu.vector_load %arg8[%get3A_801, %get3A_802, %get3A_803, %get3A_804] {strides = array<i32>} : memref<7x2x16x256xf32, #tpu.memory_space<vmem>>, vector<1x1x1x16xf32>,
          %get3A_806 = vector.shape_cast %get3A_805 : vector<1x1x1x16xf32> to vector<16xf32>
          %add3A_807 = arith.constant 7 : i32
          %add3A_808 = arith.addi %scan3A_456, %add3A_807 : i32
          %get3A_809 = arith.constant 1 : i32
          %get3A_810 = arith.index_cast %scan3A_423 : i32 to index
          %get3A_811 = arith.index_cast %get3A_809 : i32 to index
          %get3A_812 = arith.index_cast %add3A_808 : i32 to index
          %get3A_813 = arith.constant 112 : index
          %get3A_814 = tpu.vector_load %arg8[%get3A_810, %get3A_811, %get3A_812, %get3A_813] {strides = array<i32>} : memref<7x2x16x256xf32, #tpu.memory_space<vmem>>, vector<1x1x1x16xf32>,
          %get3A_815 = vector.shape_cast %get3A_814 : vector<1x1x1x16xf32> to vector<16xf32>
          %mul3A_816 = arith.mulf %get3A_790, %gather3A_460 : vector<16xf32>
          %mul3A_817 = arith.mulf %get3A_799, %gather3A_463 : vector<16xf32>
          %add3A_818 = arith.addf %mul3A_816, %mul3A_817 : vector<16xf32>
          %mul3A_819 = arith.mulf %get3A_806, %gather3A_466 : vector<16xf32>
          %add3A_820 = arith.addf %add3A_818, %mul3A_819 : vector<16xf32>
          %mul3A_821 = arith.mulf %get3A_815, %gather3A_469 : vector<16xf32>
          %add3A_822 = arith.addf %add3A_820, %mul3A_821 : vector<16xf32>
          %swap3A_823 = arith.index_cast %scan3A_423 : i32 to index
          %swap3A_824 = arith.index_cast %scan3A_456 : i32 to index
          %swap3A_825 = arith.constant 112 : index
          %swap3A_826 = tpu.vector_load %arg9[%swap3A_823, %swap3A_824, %swap3A_825] {strides = array<i32>} : memref<7x7x256xf32, #tpu.memory_space<vmem>>, vector<1x1x16xf32>,
          %swap3A_827 = vector.shape_cast %swap3A_826 : vector<1x1x16xf32> to vector<16xf32>
          %swap3A_828 = vector.shape_cast %add3A_822 : vector<16xf32> to vector<1x1x16xf32>
          tpu.vector_store %arg9[%swap3A_823, %swap3A_824, %swap3A_825], %swap3A_828 {strides = array<i32>} : memref<7x7x256xf32, #tpu.memory_space<vmem>>, vector<1x1x16xf32>,
          %get3A_829 = arith.constant 0 : i32
          %get3A_830 = arith.index_cast %scan3A_423 : i32 to index
          %get3A_831 = arith.index_cast %get3A_829 : i32 to index
          %get3A_832 = arith.index_cast %scan3A_456 : i32 to index
          %get3A_833 = arith.constant 128 : index
          %get3A_834 = tpu.vector_load %arg8[%get3A_830, %get3A_831, %get3A_832, %get3A_833] {strides = array<i32>} : memref<7x2x16x256xf32, #tpu.memory_space<vmem>>, vector<1x1x1x16xf32>,
          %get3A_835 = vector.shape_cast %get3A_834 : vector<1x1x1x16xf32> to vector<16xf32>
          %add3A_836 = arith.constant 7 : i32
          %add3A_837 = arith.addi %scan3A_456, %add3A_836 : i32
          %get3A_838 = arith.constant 0 : i32
          %get3A_839 = arith.index_cast %scan3A_423 : i32 to index
          %get3A_840 = arith.index_cast %get3A_838 : i32 to index
          %get3A_841 = arith.index_cast %add3A_837 : i32 to index
          %get3A_842 = arith.constant 128 : index
          %get3A_843 = tpu.vector_load %arg8[%get3A_839, %get3A_840, %get3A_841, %get3A_842] {strides = array<i32>} : memref<7x2x16x256xf32, #tpu.memory_space<vmem>>, vector<1x1x1x16xf32>,
          %get3A_844 = vector.shape_cast %get3A_843 : vector<1x1x1x16xf32> to vector<16xf32>
          %get3A_845 = arith.constant 1 : i32
          %get3A_846 = arith.index_cast %scan3A_423 : i32 to index
          %get3A_847 = arith.index_cast %get3A_845 : i32 to index
          %get3A_848 = arith.index_cast %scan3A_456 : i32 to index
          %get3A_849 = arith.constant 128 : index
          %get3A_850 = tpu.vector_load %arg8[%get3A_846, %get3A_847, %get3A_848, %get3A_849] {strides = array<i32>} : memref<7x2x16x256xf32, #tpu.memory_space<vmem>>, vector<1x1x1x16xf32>,
          %get3A_851 = vector.shape_cast %get3A_850 : vector<1x1x1x16xf32> to vector<16xf32>
          %add3A_852 = arith.constant 7 : i32
          %add3A_853 = arith.addi %scan3A_456, %add3A_852 : i32
          %get3A_854 = arith.constant 1 : i32
          %get3A_855 = arith.index_cast %scan3A_423 : i32 to index
          %get3A_856 = arith.index_cast %get3A_854 : i32 to index
          %get3A_857 = arith.index_cast %add3A_853 : i32 to index
          %get3A_858 = arith.constant 128 : index
          %get3A_859 = tpu.vector_load %arg8[%get3A_855, %get3A_856, %get3A_857, %get3A_858] {strides = array<i32>} : memref<7x2x16x256xf32, #tpu.memory_space<vmem>>, vector<1x1x1x16xf32>,
          %get3A_860 = vector.shape_cast %get3A_859 : vector<1x1x1x16xf32> to vector<16xf32>
          %mul3A_861 = arith.mulf %get3A_835, %gather3A_460 : vector<16xf32>
          %mul3A_862 = arith.mulf %get3A_844, %gather3A_463 : vector<16xf32>
          %add3A_863 = arith.addf %mul3A_861, %mul3A_862 : vector<16xf32>
          %mul3A_864 = arith.mulf %get3A_851, %gather3A_466 : vector<16xf32>
          %add3A_865 = arith.addf %add3A_863, %mul3A_864 : vector<16xf32>
          %mul3A_866 = arith.mulf %get3A_860, %gather3A_469 : vector<16xf32>
          %add3A_867 = arith.addf %add3A_865, %mul3A_866 : vector<16xf32>
          %swap3A_868 = arith.index_cast %scan3A_423 : i32 to index
          %swap3A_869 = arith.index_cast %scan3A_456 : i32 to index
          %swap3A_870 = arith.constant 128 : index
          %swap3A_871 = tpu.vector_load %arg9[%swap3A_868, %swap3A_869, %swap3A_870] {strides = array<i32>} : memref<7x7x256xf32, #tpu.memory_space<vmem>>, vector<1x1x16xf32>,
          %swap3A_872 = vector.shape_cast %swap3A_871 : vector<1x1x16xf32> to vector<16xf32>
          %swap3A_873 = vector.shape_cast %add3A_867 : vector<16xf32> to vector<1x1x16xf32>
          tpu.vector_store %arg9[%swap3A_868, %swap3A_869, %swap3A_870], %swap3A_873 {strides = array<i32>} : memref<7x7x256xf32, #tpu.memory_space<vmem>>, vector<1x1x16xf32>,
          %get3A_874 = arith.constant 0 : i32
          %get3A_875 = arith.index_cast %scan3A_423 : i32 to index
          %get3A_876 = arith.index_cast %get3A_874 : i32 to index
          %get3A_877 = arith.index_cast %scan3A_456 : i32 to index
          %get3A_878 = arith.constant 144 : index
          %get3A_879 = tpu.vector_load %arg8[%get3A_875, %get3A_876, %get3A_877, %get3A_878] {strides = array<i32>} : memref<7x2x16x256xf32, #tpu.memory_space<vmem>>, vector<1x1x1x16xf32>,
          %get3A_880 = vector.shape_cast %get3A_879 : vector<1x1x1x16xf32> to vector<16xf32>
          %add3A_881 = arith.constant 7 : i32
          %add3A_882 = arith.addi %scan3A_456, %add3A_881 : i32
          %get3A_883 = arith.constant 0 : i32
          %get3A_884 = arith.index_cast %scan3A_423 : i32 to index
          %get3A_885 = arith.index_cast %get3A_883 : i32 to index
          %get3A_886 = arith.index_cast %add3A_882 : i32 to index
          %get3A_887 = arith.constant 144 : index
          %get3A_888 = tpu.vector_load %arg8[%get3A_884, %get3A_885, %get3A_886, %get3A_887] {strides = array<i32>} : memref<7x2x16x256xf32, #tpu.memory_space<vmem>>, vector<1x1x1x16xf32>,
          %get3A_889 = vector.shape_cast %get3A_888 : vector<1x1x1x16xf32> to vector<16xf32>
          %get3A_890 = arith.constant 1 : i32
          %get3A_891 = arith.index_cast %scan3A_423 : i32 to index
          %get3A_892 = arith.index_cast %get3A_890 : i32 to index
          %get3A_893 = arith.index_cast %scan3A_456 : i32 to index
          %get3A_894 = arith.constant 144 : index
          %get3A_895 = tpu.vector_load %arg8[%get3A_891, %get3A_892, %get3A_893, %get3A_894] {strides = array<i32>} : memref<7x2x16x256xf32, #tpu.memory_space<vmem>>, vector<1x1x1x16xf32>,
          %get3A_896 = vector.shape_cast %get3A_895 : vector<1x1x1x16xf32> to vector<16xf32>
          %add3A_897 = arith.constant 7 : i32
          %add3A_898 = arith.addi %scan3A_456, %add3A_897 : i32
          %get3A_899 = arith.constant 1 : i32
          %get3A_900 = arith.index_cast %scan3A_423 : i32 to index
          %get3A_901 = arith.index_cast %get3A_899 : i32 to index
          %get3A_902 = arith.index_cast %add3A_898 : i32 to index
          %get3A_903 = arith.constant 144 : index
          %get3A_904 = tpu.vector_load %arg8[%get3A_900, %get3A_901, %get3A_902, %get3A_903] {strides = array<i32>} : memref<7x2x16x256xf32, #tpu.memory_space<vmem>>, vector<1x1x1x16xf32>,
          %get3A_905 = vector.shape_cast %get3A_904 : vector<1x1x1x16xf32> to vector<16xf32>
          %mul3A_906 = arith.mulf %get3A_880, %gather3A_460 : vector<16xf32>
          %mul3A_907 = arith.mulf %get3A_889, %gather3A_463 : vector<16xf32>
          %add3A_908 = arith.addf %mul3A_906, %mul3A_907 : vector<16xf32>
          %mul3A_909 = arith.mulf %get3A_896, %gather3A_466 : vector<16xf32>
          %add3A_910 = arith.addf %add3A_908, %mul3A_909 : vector<16xf32>
          %mul3A_911 = arith.mulf %get3A_905, %gather3A_469 : vector<16xf32>
          %add3A_912 = arith.addf %add3A_910, %mul3A_911 : vector<16xf32>
          %swap3A_913 = arith.index_cast %scan3A_423 : i32 to index
          %swap3A_914 = arith.index_cast %scan3A_456 : i32 to index
          %swap3A_915 = arith.constant 144 : index
          %swap3A_916 = tpu.vector_load %arg9[%swap3A_913, %swap3A_914, %swap3A_915] {strides = array<i32>} : memref<7x7x256xf32, #tpu.memory_space<vmem>>, vector<1x1x16xf32>,
          %swap3A_917 = vector.shape_cast %swap3A_916 : vector<1x1x16xf32> to vector<16xf32>
          %swap3A_918 = vector.shape_cast %add3A_912 : vector<16xf32> to vector<1x1x16xf32>
          tpu.vector_store %arg9[%swap3A_913, %swap3A_914, %swap3A_915], %swap3A_918 {strides = array<i32>} : memref<7x7x256xf32, #tpu.memory_space<vmem>>, vector<1x1x16xf32>,
          %get3A_919 = arith.constant 0 : i32
          %get3A_920 = arith.index_cast %scan3A_423 : i32 to index
          %get3A_921 = arith.index_cast %get3A_919 : i32 to index
          %get3A_922 = arith.index_cast %scan3A_456 : i32 to index
          %get3A_923 = arith.constant 160 : index
          %get3A_924 = tpu.vector_load %arg8[%get3A_920, %get3A_921, %get3A_922, %get3A_923] {strides = array<i32>} : memref<7x2x16x256xf32, #tpu.memory_space<vmem>>, vector<1x1x1x16xf32>,
          %get3A_925 = vector.shape_cast %get3A_924 : vector<1x1x1x16xf32> to vector<16xf32>
          %add3A_926 = arith.constant 7 : i32
          %add3A_927 = arith.addi %scan3A_456, %add3A_926 : i32
          %get3A_928 = arith.constant 0 : i32
          %get3A_929 = arith.index_cast %scan3A_423 : i32 to index
          %get3A_930 = arith.index_cast %get3A_928 : i32 to index
          %get3A_931 = arith.index_cast %add3A_927 : i32 to index
          %get3A_932 = arith.constant 160 : index
          %get3A_933 = tpu.vector_load %arg8[%get3A_929, %get3A_930, %get3A_931, %get3A_932] {strides = array<i32>} : memref<7x2x16x256xf32, #tpu.memory_space<vmem>>, vector<1x1x1x16xf32>,
          %get3A_934 = vector.shape_cast %get3A_933 : vector<1x1x1x16xf32> to vector<16xf32>
          %get3A_935 = arith.constant 1 : i32
          %get3A_936 = arith.index_cast %scan3A_423 : i32 to index
          %get3A_937 = arith.index_cast %get3A_935 : i32 to index
          %get3A_938 = arith.index_cast %scan3A_456 : i32 to index
          %get3A_939 = arith.constant 160 : index
          %get3A_940 = tpu.vector_load %arg8[%get3A_936, %get3A_937, %get3A_938, %get3A_939] {strides = array<i32>} : memref<7x2x16x256xf32, #tpu.memory_space<vmem>>, vector<1x1x1x16xf32>,
          %get3A_941 = vector.shape_cast %get3A_940 : vector<1x1x1x16xf32> to vector<16xf32>
          %add3A_942 = arith.constant 7 : i32
          %add3A_943 = arith.addi %scan3A_456, %add3A_942 : i32
          %get3A_944 = arith.constant 1 : i32
          %get3A_945 = arith.index_cast %scan3A_423 : i32 to index
          %get3A_946 = arith.index_cast %get3A_944 : i32 to index
          %get3A_947 = arith.index_cast %add3A_943 : i32 to index
          %get3A_948 = arith.constant 160 : index
          %get3A_949 = tpu.vector_load %arg8[%get3A_945, %get3A_946, %get3A_947, %get3A_948] {strides = array<i32>} : memref<7x2x16x256xf32, #tpu.memory_space<vmem>>, vector<1x1x1x16xf32>,
          %get3A_950 = vector.shape_cast %get3A_949 : vector<1x1x1x16xf32> to vector<16xf32>
          %mul3A_951 = arith.mulf %get3A_925, %gather3A_460 : vector<16xf32>
          %mul3A_952 = arith.mulf %get3A_934, %gather3A_463 : vector<16xf32>
          %add3A_953 = arith.addf %mul3A_951, %mul3A_952 : vector<16xf32>
          %mul3A_954 = arith.mulf %get3A_941, %gather3A_466 : vector<16xf32>
          %add3A_955 = arith.addf %add3A_953, %mul3A_954 : vector<16xf32>
          %mul3A_956 = arith.mulf %get3A_950, %gather3A_469 : vector<16xf32>
          %add3A_957 = arith.addf %add3A_955, %mul3A_956 : vector<16xf32>
          %swap3A_958 = arith.index_cast %scan3A_423 : i32 to index
          %swap3A_959 = arith.index_cast %scan3A_456 : i32 to index
          %swap3A_960 = arith.constant 160 : index
          %swap3A_961 = tpu.vector_load %arg9[%swap3A_958, %swap3A_959, %swap3A_960] {strides = array<i32>} : memref<7x7x256xf32, #tpu.memory_space<vmem>>, vector<1x1x16xf32>,
          %swap3A_962 = vector.shape_cast %swap3A_961 : vector<1x1x16xf32> to vector<16xf32>
          %swap3A_963 = vector.shape_cast %add3A_957 : vector<16xf32> to vector<1x1x16xf32>
          tpu.vector_store %arg9[%swap3A_958, %swap3A_959, %swap3A_960], %swap3A_963 {strides = array<i32>} : memref<7x7x256xf32, #tpu.memory_space<vmem>>, vector<1x1x16xf32>,
          %get3A_964 = arith.constant 0 : i32
          %get3A_965 = arith.index_cast %scan3A_423 : i32 to index
          %get3A_966 = arith.index_cast %get3A_964 : i32 to index
          %get3A_967 = arith.index_cast %scan3A_456 : i32 to index
          %get3A_968 = arith.constant 176 : index
          %get3A_969 = tpu.vector_load %arg8[%get3A_965, %get3A_966, %get3A_967, %get3A_968] {strides = array<i32>} : memref<7x2x16x256xf32, #tpu.memory_space<vmem>>, vector<1x1x1x16xf32>,
          %get3A_970 = vector.shape_cast %get3A_969 : vector<1x1x1x16xf32> to vector<16xf32>
          %add3A_971 = arith.constant 7 : i32
          %add3A_972 = arith.addi %scan3A_456, %add3A_971 : i32
          %get3A_973 = arith.constant 0 : i32
          %get3A_974 = arith.index_cast %scan3A_423 : i32 to index
          %get3A_975 = arith.index_cast %get3A_973 : i32 to index
          %get3A_976 = arith.index_cast %add3A_972 : i32 to index
          %get3A_977 = arith.constant 176 : index
          %get3A_978 = tpu.vector_load %arg8[%get3A_974, %get3A_975, %get3A_976, %get3A_977] {strides = array<i32>} : memref<7x2x16x256xf32, #tpu.memory_space<vmem>>, vector<1x1x1x16xf32>,
          %get3A_979 = vector.shape_cast %get3A_978 : vector<1x1x1x16xf32> to vector<16xf32>
          %get3A_980 = arith.constant 1 : i32
          %get3A_981 = arith.index_cast %scan3A_423 : i32 to index
          %get3A_982 = arith.index_cast %get3A_980 : i32 to index
          %get3A_983 = arith.index_cast %scan3A_456 : i32 to index
          %get3A_984 = arith.constant 176 : index
          %get3A_985 = tpu.vector_load %arg8[%get3A_981, %get3A_982, %get3A_983, %get3A_984] {strides = array<i32>} : memref<7x2x16x256xf32, #tpu.memory_space<vmem>>, vector<1x1x1x16xf32>,
          %get3A_986 = vector.shape_cast %get3A_985 : vector<1x1x1x16xf32> to vector<16xf32>
          %add3A_987 = arith.constant 7 : i32
          %add3A_988 = arith.addi %scan3A_456, %add3A_987 : i32
          %get3A_989 = arith.constant 1 : i32
          %get3A_990 = arith.index_cast %scan3A_423 : i32 to index
          %get3A_991 = arith.index_cast %get3A_989 : i32 to index
          %get3A_992 = arith.index_cast %add3A_988 : i32 to index
          %get3A_993 = arith.constant 176 : index
          %get3A_994 = tpu.vector_load %arg8[%get3A_990, %get3A_991, %get3A_992, %get3A_993] {strides = array<i32>} : memref<7x2x16x256xf32, #tpu.memory_space<vmem>>, vector<1x1x1x16xf32>,
          %get3A_995 = vector.shape_cast %get3A_994 : vector<1x1x1x16xf32> to vector<16xf32>
          %mul3A_996 = arith.mulf %get3A_970, %gather3A_460 : vector<16xf32>
          %mul3A_997 = arith.mulf %get3A_979, %gather3A_463 : vector<16xf32>
          %add3A_998 = arith.addf %mul3A_996, %mul3A_997 : vector<16xf32>
          %mul3A_999 = arith.mulf %get3A_986, %gather3A_466 : vector<16xf32>
          %add3A_1000 = arith.addf %add3A_998, %mul3A_999 : vector<16xf32>
          %mul3A_1001 = arith.mulf %get3A_995, %gather3A_469 : vector<16xf32>
          %add3A_1002 = arith.addf %add3A_1000, %mul3A_1001 : vector<16xf32>
          %swap3A_1003 = arith.index_cast %scan3A_423 : i32 to index
          %swap3A_1004 = arith.index_cast %scan3A_456 : i32 to index
          %swap3A_1005 = arith.constant 176 : index
          %swap3A_1006 = tpu.vector_load %arg9[%swap3A_1003, %swap3A_1004, %swap3A_1005] {strides = array<i32>} : memref<7x7x256xf32, #tpu.memory_space<vmem>>, vector<1x1x16xf32>,
          %swap3A_1007 = vector.shape_cast %swap3A_1006 : vector<1x1x16xf32> to vector<16xf32>
          %swap3A_1008 = vector.shape_cast %add3A_1002 : vector<16xf32> to vector<1x1x16xf32>
          tpu.vector_store %arg9[%swap3A_1003, %swap3A_1004, %swap3A_1005], %swap3A_1008 {strides = array<i32>} : memref<7x7x256xf32, #tpu.memory_space<vmem>>, vector<1x1x16xf32>,
          %get3A_1009 = arith.constant 0 : i32
          %get3A_1010 = arith.index_cast %scan3A_423 : i32 to index
          %get3A_1011 = arith.index_cast %get3A_1009 : i32 to index
          %get3A_1012 = arith.index_cast %scan3A_456 : i32 to index
          %get3A_1013 = arith.constant 192 : index
          %get3A_1014 = tpu.vector_load %arg8[%get3A_1010, %get3A_1011, %get3A_1012, %get3A_1013] {strides = array<i32>} : memref<7x2x16x256xf32, #tpu.memory_space<vmem>>, vector<1x1x1x16xf32>,
          %get3A_1015 = vector.shape_cast %get3A_1014 : vector<1x1x1x16xf32> to vector<16xf32>
          %add3A_1016 = arith.constant 7 : i32
          %add3A_1017 = arith.addi %scan3A_456, %add3A_1016 : i32
          %get3A_1018 = arith.constant 0 : i32
          %get3A_1019 = arith.index_cast %scan3A_423 : i32 to index
          %get3A_1020 = arith.index_cast %get3A_1018 : i32 to index
          %get3A_1021 = arith.index_cast %add3A_1017 : i32 to index
          %get3A_1022 = arith.constant 192 : index
          %get3A_1023 = tpu.vector_load %arg8[%get3A_1019, %get3A_1020, %get3A_1021, %get3A_1022] {strides = array<i32>} : memref<7x2x16x256xf32, #tpu.memory_space<vmem>>, vector<1x1x1x16xf32>,
          %get3A_1024 = vector.shape_cast %get3A_1023 : vector<1x1x1x16xf32> to vector<16xf32>
          %get3A_1025 = arith.constant 1 : i32
          %get3A_1026 = arith.index_cast %scan3A_423 : i32 to index
          %get3A_1027 = arith.index_cast %get3A_1025 : i32 to index
          %get3A_1028 = arith.index_cast %scan3A_456 : i32 to index
          %get3A_1029 = arith.constant 192 : index
          %get3A_1030 = tpu.vector_load %arg8[%get3A_1026, %get3A_1027, %get3A_1028, %get3A_1029] {strides = array<i32>} : memref<7x2x16x256xf32, #tpu.memory_space<vmem>>, vector<1x1x1x16xf32>,
          %get3A_1031 = vector.shape_cast %get3A_1030 : vector<1x1x1x16xf32> to vector<16xf32>
          %add3A_1032 = arith.constant 7 : i32
          %add3A_1033 = arith.addi %scan3A_456, %add3A_1032 : i32
          %get3A_1034 = arith.constant 1 : i32
          %get3A_1035 = arith.index_cast %scan3A_423 : i32 to index
          %get3A_1036 = arith.index_cast %get3A_1034 : i32 to index
          %get3A_1037 = arith.index_cast %add3A_1033 : i32 to index
          %get3A_1038 = arith.constant 192 : index
          %get3A_1039 = tpu.vector_load %arg8[%get3A_1035, %get3A_1036, %get3A_1037, %get3A_1038] {strides = array<i32>} : memref<7x2x16x256xf32, #tpu.memory_space<vmem>>, vector<1x1x1x16xf32>,
          %get3A_1040 = vector.shape_cast %get3A_1039 : vector<1x1x1x16xf32> to vector<16xf32>
          %mul3A_1041 = arith.mulf %get3A_1015, %gather3A_460 : vector<16xf32>
          %mul3A_1042 = arith.mulf %get3A_1024, %gather3A_463 : vector<16xf32>
          %add3A_1043 = arith.addf %mul3A_1041, %mul3A_1042 : vector<16xf32>
          %mul3A_1044 = arith.mulf %get3A_1031, %gather3A_466 : vector<16xf32>
          %add3A_1045 = arith.addf %add3A_1043, %mul3A_1044 : vector<16xf32>
          %mul3A_1046 = arith.mulf %get3A_1040, %gather3A_469 : vector<16xf32>
          %add3A_1047 = arith.addf %add3A_1045, %mul3A_1046 : vector<16xf32>
          %swap3A_1048 = arith.index_cast %scan3A_423 : i32 to index
          %swap3A_1049 = arith.index_cast %scan3A_456 : i32 to index
          %swap3A_1050 = arith.constant 192 : index
          %swap3A_1051 = tpu.vector_load %arg9[%swap3A_1048, %swap3A_1049, %swap3A_1050] {strides = array<i32>} : memref<7x7x256xf32, #tpu.memory_space<vmem>>, vector<1x1x16xf32>,
          %swap3A_1052 = vector.shape_cast %swap3A_1051 : vector<1x1x16xf32> to vector<16xf32>
          %swap3A_1053 = vector.shape_cast %add3A_1047 : vector<16xf32> to vector<1x1x16xf32>
          tpu.vector_store %arg9[%swap3A_1048, %swap3A_1049, %swap3A_1050], %swap3A_1053 {strides = array<i32>} : memref<7x7x256xf32, #tpu.memory_space<vmem>>, vector<1x1x16xf32>,
          %get3A_1054 = arith.constant 0 : i32
          %get3A_1055 = arith.index_cast %scan3A_423 : i32 to index
          %get3A_1056 = arith.index_cast %get3A_1054 : i32 to index
          %get3A_1057 = arith.index_cast %scan3A_456 : i32 to index
          %get3A_1058 = arith.constant 208 : index
          %get3A_1059 = tpu.vector_load %arg8[%get3A_1055, %get3A_1056, %get3A_1057, %get3A_1058] {strides = array<i32>} : memref<7x2x16x256xf32, #tpu.memory_space<vmem>>, vector<1x1x1x16xf32>,
          %get3A_1060 = vector.shape_cast %get3A_1059 : vector<1x1x1x16xf32> to vector<16xf32>
          %add3A_1061 = arith.constant 7 : i32
          %add3A_1062 = arith.addi %scan3A_456, %add3A_1061 : i32
          %get3A_1063 = arith.constant 0 : i32
          %get3A_1064 = arith.index_cast %scan3A_423 : i32 to index
          %get3A_1065 = arith.index_cast %get3A_1063 : i32 to index
          %get3A_1066 = arith.index_cast %add3A_1062 : i32 to index
          %get3A_1067 = arith.constant 208 : index
          %get3A_1068 = tpu.vector_load %arg8[%get3A_1064, %get3A_1065, %get3A_1066, %get3A_1067] {strides = array<i32>} : memref<7x2x16x256xf32, #tpu.memory_space<vmem>>, vector<1x1x1x16xf32>,
          %get3A_1069 = vector.shape_cast %get3A_1068 : vector<1x1x1x16xf32> to vector<16xf32>
          %get3A_1070 = arith.constant 1 : i32
          %get3A_1071 = arith.index_cast %scan3A_423 : i32 to index
          %get3A_1072 = arith.index_cast %get3A_1070 : i32 to index
          %get3A_1073 = arith.index_cast %scan3A_456 : i32 to index
          %get3A_1074 = arith.constant 208 : index
          %get3A_1075 = tpu.vector_load %arg8[%get3A_1071, %get3A_1072, %get3A_1073, %get3A_1074] {strides = array<i32>} : memref<7x2x16x256xf32, #tpu.memory_space<vmem>>, vector<1x1x1x16xf32>,
          %get3A_1076 = vector.shape_cast %get3A_1075 : vector<1x1x1x16xf32> to vector<16xf32>
          %add3A_1077 = arith.constant 7 : i32
          %add3A_1078 = arith.addi %scan3A_456, %add3A_1077 : i32
          %get3A_1079 = arith.constant 1 : i32
          %get3A_1080 = arith.index_cast %scan3A_423 : i32 to index
          %get3A_1081 = arith.index_cast %get3A_1079 : i32 to index
          %get3A_1082 = arith.index_cast %add3A_1078 : i32 to index
          %get3A_1083 = arith.constant 208 : index
          %get3A_1084 = tpu.vector_load %arg8[%get3A_1080, %get3A_1081, %get3A_1082, %get3A_1083] {strides = array<i32>} : memref<7x2x16x256xf32, #tpu.memory_space<vmem>>, vector<1x1x1x16xf32>,
          %get3A_1085 = vector.shape_cast %get3A_1084 : vector<1x1x1x16xf32> to vector<16xf32>
          %mul3A_1086 = arith.mulf %get3A_1060, %gather3A_460 : vector<16xf32>
          %mul3A_1087 = arith.mulf %get3A_1069, %gather3A_463 : vector<16xf32>
          %add3A_1088 = arith.addf %mul3A_1086, %mul3A_1087 : vector<16xf32>
          %mul3A_1089 = arith.mulf %get3A_1076, %gather3A_466 : vector<16xf32>
          %add3A_1090 = arith.addf %add3A_1088, %mul3A_1089 : vector<16xf32>
          %mul3A_1091 = arith.mulf %get3A_1085, %gather3A_469 : vector<16xf32>
          %add3A_1092 = arith.addf %add3A_1090, %mul3A_1091 : vector<16xf32>
          %swap3A_1093 = arith.index_cast %scan3A_423 : i32 to index
          %swap3A_1094 = arith.index_cast %scan3A_456 : i32 to index
          %swap3A_1095 = arith.constant 208 : index
          %swap3A_1096 = tpu.vector_load %arg9[%swap3A_1093, %swap3A_1094, %swap3A_1095] {strides = array<i32>} : memref<7x7x256xf32, #tpu.memory_space<vmem>>, vector<1x1x16xf32>,
          %swap3A_1097 = vector.shape_cast %swap3A_1096 : vector<1x1x16xf32> to vector<16xf32>
          %swap3A_1098 = vector.shape_cast %add3A_1092 : vector<16xf32> to vector<1x1x16xf32>
          tpu.vector_store %arg9[%swap3A_1093, %swap3A_1094, %swap3A_1095], %swap3A_1098 {strides = array<i32>} : memref<7x7x256xf32, #tpu.memory_space<vmem>>, vector<1x1x16xf32>,
          %get3A_1099 = arith.constant 0 : i32
          %get3A_1100 = arith.index_cast %scan3A_423 : i32 to index
          %get3A_1101 = arith.index_cast %get3A_1099 : i32 to index
          %get3A_1102 = arith.index_cast %scan3A_456 : i32 to index
          %get3A_1103 = arith.constant 224 : index
          %get3A_1104 = tpu.vector_load %arg8[%get3A_1100, %get3A_1101, %get3A_1102, %get3A_1103] {strides = array<i32>} : memref<7x2x16x256xf32, #tpu.memory_space<vmem>>, vector<1x1x1x16xf32>,
          %get3A_1105 = vector.shape_cast %get3A_1104 : vector<1x1x1x16xf32> to vector<16xf32>
          %add3A_1106 = arith.constant 7 : i32
          %add3A_1107 = arith.addi %scan3A_456, %add3A_1106 : i32
          %get3A_1108 = arith.constant 0 : i32
          %get3A_1109 = arith.index_cast %scan3A_423 : i32 to index
          %get3A_1110 = arith.index_cast %get3A_1108 : i32 to index
          %get3A_1111 = arith.index_cast %add3A_1107 : i32 to index
          %get3A_1112 = arith.constant 224 : index
          %get3A_1113 = tpu.vector_load %arg8[%get3A_1109, %get3A_1110, %get3A_1111, %get3A_1112] {strides = array<i32>} : memref<7x2x16x256xf32, #tpu.memory_space<vmem>>, vector<1x1x1x16xf32>,
          %get3A_1114 = vector.shape_cast %get3A_1113 : vector<1x1x1x16xf32> to vector<16xf32>
          %get3A_1115 = arith.constant 1 : i32
          %get3A_1116 = arith.index_cast %scan3A_423 : i32 to index
          %get3A_1117 = arith.index_cast %get3A_1115 : i32 to index
          %get3A_1118 = arith.index_cast %scan3A_456 : i32 to index
          %get3A_1119 = arith.constant 224 : index
          %get3A_1120 = tpu.vector_load %arg8[%get3A_1116, %get3A_1117, %get3A_1118, %get3A_1119] {strides = array<i32>} : memref<7x2x16x256xf32, #tpu.memory_space<vmem>>, vector<1x1x1x16xf32>,
          %get3A_1121 = vector.shape_cast %get3A_1120 : vector<1x1x1x16xf32> to vector<16xf32>
          %add3A_1122 = arith.constant 7 : i32
          %add3A_1123 = arith.addi %scan3A_456, %add3A_1122 : i32
          %get3A_1124 = arith.constant 1 : i32
          %get3A_1125 = arith.index_cast %scan3A_423 : i32 to index
          %get3A_1126 = arith.index_cast %get3A_1124 : i32 to index
          %get3A_1127 = arith.index_cast %add3A_1123 : i32 to index
          %get3A_1128 = arith.constant 224 : index
          %get3A_1129 = tpu.vector_load %arg8[%get3A_1125, %get3A_1126, %get3A_1127, %get3A_1128] {strides = array<i32>} : memref<7x2x16x256xf32, #tpu.memory_space<vmem>>, vector<1x1x1x16xf32>,
          %get3A_1130 = vector.shape_cast %get3A_1129 : vector<1x1x1x16xf32> to vector<16xf32>
          %mul3A_1131 = arith.mulf %get3A_1105, %gather3A_460 : vector<16xf32>
          %mul3A_1132 = arith.mulf %get3A_1114, %gather3A_463 : vector<16xf32>
          %add3A_1133 = arith.addf %mul3A_1131, %mul3A_1132 : vector<16xf32>
          %mul3A_1134 = arith.mulf %get3A_1121, %gather3A_466 : vector<16xf32>
          %add3A_1135 = arith.addf %add3A_1133, %mul3A_1134 : vector<16xf32>
          %mul3A_1136 = arith.mulf %get3A_1130, %gather3A_469 : vector<16xf32>
          %add3A_1137 = arith.addf %add3A_1135, %mul3A_1136 : vector<16xf32>
          %swap3A_1138 = arith.index_cast %scan3A_423 : i32 to index
          %swap3A_1139 = arith.index_cast %scan3A_456 : i32 to index
          %swap3A_1140 = arith.constant 224 : index
          %swap3A_1141 = tpu.vector_load %arg9[%swap3A_1138, %swap3A_1139, %swap3A_1140] {strides = array<i32>} : memref<7x7x256xf32, #tpu.memory_space<vmem>>, vector<1x1x16xf32>,
          %swap3A_1142 = vector.shape_cast %swap3A_1141 : vector<1x1x16xf32> to vector<16xf32>
          %swap3A_1143 = vector.shape_cast %add3A_1137 : vector<16xf32> to vector<1x1x16xf32>
          tpu.vector_store %arg9[%swap3A_1138, %swap3A_1139, %swap3A_1140], %swap3A_1143 {strides = array<i32>} : memref<7x7x256xf32, #tpu.memory_space<vmem>>, vector<1x1x16xf32>,
          %get3A_1144 = arith.constant 0 : i32
          %get3A_1145 = arith.index_cast %scan3A_423 : i32 to index
          %get3A_1146 = arith.index_cast %get3A_1144 : i32 to index
          %get3A_1147 = arith.index_cast %scan3A_456 : i32 to index
          %get3A_1148 = arith.constant 240 : index
          %get3A_1149 = tpu.vector_load %arg8[%get3A_1145, %get3A_1146, %get3A_1147, %get3A_1148] {strides = array<i32>} : memref<7x2x16x256xf32, #tpu.memory_space<vmem>>, vector<1x1x1x16xf32>,
          %get3A_1150 = vector.shape_cast %get3A_1149 : vector<1x1x1x16xf32> to vector<16xf32>
          %add3A_1151 = arith.constant 7 : i32
          %add3A_1152 = arith.addi %scan3A_456, %add3A_1151 : i32
          %get3A_1153 = arith.constant 0 : i32
          %get3A_1154 = arith.index_cast %scan3A_423 : i32 to index
          %get3A_1155 = arith.index_cast %get3A_1153 : i32 to index
          %get3A_1156 = arith.index_cast %add3A_1152 : i32 to index
          %get3A_1157 = arith.constant 240 : index
          %get3A_1158 = tpu.vector_load %arg8[%get3A_1154, %get3A_1155, %get3A_1156, %get3A_1157] {strides = array<i32>} : memref<7x2x16x256xf32, #tpu.memory_space<vmem>>, vector<1x1x1x16xf32>,
          %get3A_1159 = vector.shape_cast %get3A_1158 : vector<1x1x1x16xf32> to vector<16xf32>
          %get3A_1160 = arith.constant 1 : i32
          %get3A_1161 = arith.index_cast %scan3A_423 : i32 to index
          %get3A_1162 = arith.index_cast %get3A_1160 : i32 to index
          %get3A_1163 = arith.index_cast %scan3A_456 : i32 to index
          %get3A_1164 = arith.constant 240 : index
          %get3A_1165 = tpu.vector_load %arg8[%get3A_1161, %get3A_1162, %get3A_1163, %get3A_1164] {strides = array<i32>} : memref<7x2x16x256xf32, #tpu.memory_space<vmem>>, vector<1x1x1x16xf32>,
          %get3A_1166 = vector.shape_cast %get3A_1165 : vector<1x1x1x16xf32> to vector<16xf32>
          %add3A_1167 = arith.constant 7 : i32
          %add3A_1168 = arith.addi %scan3A_456, %add3A_1167 : i32
          %get3A_1169 = arith.constant 1 : i32
          %get3A_1170 = arith.index_cast %scan3A_423 : i32 to index
          %get3A_1171 = arith.index_cast %get3A_1169 : i32 to index
          %get3A_1172 = arith.index_cast %add3A_1168 : i32 to index
          %get3A_1173 = arith.constant 240 : index
          %get3A_1174 = tpu.vector_load %arg8[%get3A_1170, %get3A_1171, %get3A_1172, %get3A_1173] {strides = array<i32>} : memref<7x2x16x256xf32, #tpu.memory_space<vmem>>, vector<1x1x1x16xf32>,
          %get3A_1175 = vector.shape_cast %get3A_1174 : vector<1x1x1x16xf32> to vector<16xf32>
          %mul3A_1176 = arith.mulf %get3A_1150, %gather3A_460 : vector<16xf32>
          %mul3A_1177 = arith.mulf %get3A_1159, %gather3A_463 : vector<16xf32>
          %add3A_1178 = arith.addf %mul3A_1176, %mul3A_1177 : vector<16xf32>
          %mul3A_1179 = arith.mulf %get3A_1166, %gather3A_466 : vector<16xf32>
          %add3A_1180 = arith.addf %add3A_1178, %mul3A_1179 : vector<16xf32>
          %mul3A_1181 = arith.mulf %get3A_1175, %gather3A_469 : vector<16xf32>
          %add3A_1182 = arith.addf %add3A_1180, %mul3A_1181 : vector<16xf32>
          %swap3A_1183 = arith.index_cast %scan3A_423 : i32 to index
          %swap3A_1184 = arith.index_cast %scan3A_456 : i32 to index
          %swap3A_1185 = arith.constant 240 : index
          %swap3A_1186 = tpu.vector_load %arg9[%swap3A_1183, %swap3A_1184, %swap3A_1185] {strides = array<i32>} : memref<7x7x256xf32, #tpu.memory_space<vmem>>, vector<1x1x16xf32>,
          %swap3A_1187 = vector.shape_cast %swap3A_1186 : vector<1x1x16xf32> to vector<16xf32>
          %swap3A_1188 = vector.shape_cast %add3A_1182 : vector<16xf32> to vector<1x1x16xf32>
          tpu.vector_store %arg9[%swap3A_1183, %swap3A_1184, %swap3A_1185], %swap3A_1188 {strides = array<i32>} : memref<7x7x256xf32, #tpu.memory_space<vmem>>, vector<1x1x16xf32>,
        }
        %scan3A_455 = arith.constant 7 : i32
      }
      %scan3A_421 = arith.constant 7 : i32
      %add3A_422 = arith.addi %mul3A_2, %scan3A_12 : i32
      "tpu.region"() ({
        %run_scoped3A = tpu.sem_alloc : memref<!tpu.dma_semaphore, #tpu.memory_space<semaphore_mem>>
        %dma_start3A_423 = arith.constant 0 : i32
        %dma_start3A_424 = arith.constant 0 : i32
        %dma_start3A_425 = arith.constant 0 : i32
        %dma_start3A_426 = tpu.memref_slice %arg5[%add3A_422, %dma_start3A_423, %dma_start3A_424, %dma_start3A_425] : memref<1024x7x7x256xf32, #tpu.memory_space<hbm>> -> memref<1x7x7x256xf32, #tpu.memory_space<hbm>>
        %dma_start3A_427 = tpu.memref_squeeze %dma_start3A_426 : memref<1x7x7x256xf32, #tpu.memory_space<hbm>> -> memref<7x7x256xf32, #tpu.memory_space<hbm>>
        %dma_start3A_428 = arith.constant 0 : i32
        %dma_start3A_429 = arith.constant 0 : i32
        %dma_start3A_430 = arith.constant 0 : i32
        %dma_start3A_431 = tpu.memref_slice %arg5[%add3A_422, %dma_start3A_428, %dma_start3A_429, %dma_start3A_430] : memref<1024x7x7x256xf32, #tpu.memory_space<hbm>> -> memref<1x7x7x256xf32, #tpu.memory_space<hbm>>
        %dma_start3A_432 = tpu.memref_squeeze %dma_start3A_431 : memref<1x7x7x256xf32, #tpu.memory_space<hbm>> -> memref<7x7x256xf32, #tpu.memory_space<hbm>>
        tpu.enqueue_dma source(%arg9 : memref<7x7x256xf32, #tpu.memory_space<vmem>>) target(%dma_start3A_432 : memref<7x7x256xf32, #tpu.memory_space<hbm>>) target_semaphore(%run_scoped3A : memref<!tpu.dma_semaphore, #tpu.memory_space<semaphore_mem>>)
        %dma_wait3A_433 = arith.constant 0 : i32
        %dma_wait3A_434 = arith.constant 0 : i32
        %dma_wait3A_435 = arith.constant 0 : i32
        %dma_wait3A_436 = tpu.memref_slice %arg5[%add3A_422, %dma_wait3A_433, %dma_wait3A_434, %dma_wait3A_435] : memref<1024x7x7x256xf32, #tpu.memory_space<hbm>> -> memref<1x7x7x256xf32, #tpu.memory_space<hbm>>
        %dma_wait3A_437 = tpu.memref_squeeze %dma_wait3A_436 : memref<1x7x7x256xf32, #tpu.memory_space<hbm>> -> memref<7x7x256xf32, #tpu.memory_space<hbm>>
        %dma_wait3A_438 = arith.constant 0 : i32
        %dma_wait3A_439 = arith.constant 0 : i32
        %dma_wait3A_440 = arith.constant 0 : i32
        %dma_wait3A_441 = tpu.memref_slice %arg5[%add3A_422, %dma_wait3A_438, %dma_wait3A_439, %dma_wait3A_440] : memref<1024x7x7x256xf32, #tpu.memory_space<hbm>> -> memref<1x7x7x256xf32, #tpu.memory_space<hbm>>
        %dma_wait3A_442 = tpu.memref_squeeze %dma_wait3A_441 : memref<1x7x7x256xf32, #tpu.memory_space<hbm>> -> memref<7x7x256xf32, #tpu.memory_space<hbm>>
        tpu.wait_dma2 semaphore(%run_scoped3A : memref<!tpu.dma_semaphore, #tpu.memory_space<semaphore_mem>>) src(%arg9 : memref<7x7x256xf32, #tpu.memory_space<vmem>>) dst(%dma_wait3A_442 : memref<7x7x256xf32, #tpu.memory_space<hbm>>)
        tpu.yield
      }) : () -> ()
    }
    %scan3A_11 = arith.constant 32 : i32
    return
  }
}

</mosaic_0001>

<sc_bundles>
// kernel: kernel.3.cloned.1.call-start
scs
__scs_entry_jumppad:
0x0: {  	(pc) =	sbr.rel $0x88, $3  }
0x1: {  	(tag) =	ssettag $0x0;
	lr =	simm.s32 $0x1  }
0x2: {  	[smem:$0x3F9C] =	sst lr;
	_ =	strace $0xD0000000  }
0x3: {  	_ = 	snop  }
0x4: {  	_ = 	snop  }
0x5: {  	_ = 	snop  }
0x6: {  	_ = 	snop  }
0x7: {  	_ = 	snop  }
__scs_overlays_trampoline_lowered:
0x8: {  	[smem:$0x3FAB] =	sst s0  }
0x9: {  	[smem:$0x3FAC] =	sst s1  }
0xa: {  	[smem:$0x3FAD] =	sst s2  }
0xb: {  	[smem:$0x3FAE] =	sst s3  }
0xc: {  	[smem:$0x3FAF] =	sst s4  }
0xd: {  	[smem:$0x3FB0] =	sst s5  }
0xe: {  	[smem:$0x3FB1] =	sst s6  }
0xf: {  	[smem:$0x3FB2] =	sst s7  }
0x10: {  	[smem:$0x3FB3] =	sst s8  }
0x11: {  	[smem:$0x3FB4] =	sst s9;
	s0 =	simm.s32 @!p0 $0x0  }
0x12: {  	s1 =	sld [smem:$0x3F9A];
	s0 =	simm.s32 @p0 $0x1  }
0x13: {  	[smem:$0x3FB5] =	sst s0;
	s0 =	simm.s32 @!p1 $0x0  }
0x14: {  	s2 =	sld [smem:$0x3F99];
	s0 =	simm.s32 @p1 $0x1  }
0x15: {  	[smem:$0x3FB6] =	sst s0;
	s0 =	simm.s32 @!p2 $0x0  }
0x16: {  	s3 =	sld [smem:$0x3FDB];
	s0 =	simm.s32 @p2 $0x1  }
0x17: {  	s4 =	simm.s32 $0x1BF5;
	[smem:$0x3FB8] =	sst s0  }
0x18: {  	s0 =	sld [smem:$0x3F9B];
	_ =	swait.ge [sflag:s4], $0x0  }
0x19: {  	s7 =	sld [smem:$0x3F9C]  }
0x1a: {  	s8 =	sadd.s32 $0xFFFFE003, lr  }
0x1b: {  	s9 =	sadd.s32 $0xFFFFFEF7, lr;
	s5 =	simm.s32 $0xFFFFFFFF;
	p2 =	slt.u32 s8, $0xFFFFF086  }
0x1c: {  	p1 =	slt.u32 s9, $0xF7A;
	s5 =	simm.s32 @!p2 $0x0  }
0x1d: {  	s5 =	simm.s32 @p1 $0x1;
	p0 =	seq.s32 s7, s2  }
0x1e: {  	s7 =	smul.u32 @!p0 $0xF7A, s2;
	p2 =	seq.s32 @!p0 s5, $0x0  }
0x1f: {  	s9 =	smul.u32 $0xF7A, s1;
	s8 =	simm.s32 @!p0 $0x1BF5;
	p2 =	por !p2, p0  }
0x20: {  	[sflag:s8] =	ssyncset.s32 @!p0 $0xFFFFF086;
	s6 =	sadd.s32 @!p0 s3, s7;
	s7 =	simm.s32 @!p0 $0x108  }
0x21: {  	s3 =	sadd.s32 s3, s9;
	s6 =	sadd.s32 @!p0 $0x88, s6;
	s7 =	simm.s32 @p2 $0x1082  }
0x22: {  	[simem:s7], [sflag:s8] =	dma.local @!p0 [hbm:s6], $0xF7A  }
0x23: {  	s9 =	sor.u32 $0xD0000000, s2;
	s6 =	simm.s32 $0x108;
	_ =	swait.ge @!p0 [sflag:s8], $0x0  }
0x24: {  	s3 =	sadd.s32 $0x88, s3;
	s6 =	simm.s32 @!p1 $0x1082;
	[sflag:s4] =	ssyncset.s32 $0xFFFFF086  }
0x25: {  	[simem:s6], [sflag:s4] =	dma.local [hbm:s3], $0xF7A  }
0x26: {  	[smem:$0x3F9C] =	sst s1;
	(tag) =	ssettag s2;
	_ =	strace s9  }
0x27: {  	s1 =	sld [smem:$0x3FAC]  }
0x28: {  	s2 =	sld [smem:$0x3FAD]  }
0x29: {  	s4 =	sld [smem:$0x3FAF]  }
0x2a: {  	p0 =	seq.s32 s5, $0x0;
	s5 =	sld [smem:$0x3FB0]  }
0x2b: {  	s6 =	sld [smem:$0x3FB1]  }
0x2c: {  	s7 =	sld [smem:$0x3FB2]  }
0x2d: {  	s3 =	simm.s32 $0x108;
	s8 =	sld [smem:$0x3FB3]  }
0x2e: {  	s3 =	simm.s32 @!p0 $0x1082;
	s9 =	sld [smem:$0x3FB4]  }
0x2f: {  	lr =	sadd.s32 s0, s3;
	s0 =	sld [smem:$0x3FAB]  }
0x30: {  	s3 =	sld [smem:$0x3FAE]  }
0x31: {  	[smem:$0x3FB7] =	sst s10  }
0x32: {  	s10 =	sld [smem:$0x3FB5];
	_ =	sdelay $0x3  }
0x33: {  	p0 =	seq.s32 s10, $0x1;
	s10 =	sld [smem:$0x3FB7];
	_ =	sdelay $0x3  }
0x34: {  	[smem:$0x3FB7] =	sst s10  }
0x35: {  	s10 =	sld [smem:$0x3FB6];
	_ =	sdelay $0x3  }
0x36: {  	p1 =	seq.s32 s10, $0x1;
	s10 =	sld [smem:$0x3FB7];
	_ =	sdelay $0x3  }
0x37: {  	[smem:$0x3FB7] =	sst s10  }
0x38: {  	s10 =	sld [smem:$0x3FB8]  }
0x39: {  	_ = 	snop;
	(pc) =	sbr.ind lr, $3  }
0x3a: {  	_ = 	snop  }
0x3b: {  	_ = 	snop  }
0x3c: {  	p2 =	seq.s32 s10, $0x1;
	s10 =	sld [smem:$0x3FB7]  }
0x3d: {  	_ =	shalt  }
0x3e: {  	_ =	shalt  }
0x3f: {  	_ =	shalt  }
0x40: {  	_ =	shalt  }
0x41: {  	_ =	shalt  }
0x42: {  	_ =	shalt  }
0x43: {  	_ =	shalt  }
0x44: {  	_ =	shalt  }
0x45: {  	_ =	shalt  }
0x46: {  	_ =	shalt  }
0x47: {  	_ =	shalt  }
0x48: {  	_ =	shalt  }
0x49: {  	_ =	shalt  }
0x4a: {  	_ =	shalt  }
0x4b: {  	_ =	shalt  }
0x4c: {  	_ =	shalt  }
0x4d: {  	_ =	shalt  }
0x4e: {  	_ =	shalt  }
0x4f: {  	_ =	shalt  }
0x50: {  	_ =	shalt  }
0x51: {  	_ =	shalt  }
0x52: {  	_ =	shalt  }
0x53: {  	_ =	shalt  }
0x54: {  	_ =	shalt  }
0x55: {  	_ =	shalt  }
0x56: {  	_ =	shalt  }
0x57: {  	_ =	shalt  }
0x58: {  	_ =	shalt  }
0x59: {  	_ =	shalt  }
0x5a: {  	_ =	shalt  }
0x5b: {  	_ =	shalt  }
0x5c: {  	_ =	shalt  }
0x5d: {  	_ =	shalt  }
0x5e: {  	_ =	shalt  }
0x5f: {  	_ =	shalt  }
0x60: {  	_ =	shalt  }
0x61: {  	_ =	shalt  }
0x62: {  	_ =	shalt  }
0x63: {  	_ =	shalt  }
0x64: {  	_ =	shalt  }
0x65: {  	_ =	shalt  }
0x66: {  	_ =	shalt  }
0x67: {  	_ =	shalt  }
0x68: {  	_ =	shalt  }
0x69: {  	_ =	shalt  }
0x6a: {  	_ =	shalt  }
0x6b: {  	_ =	shalt  }
0x6c: {  	_ =	shalt  }
0x6d: {  	_ =	shalt  }
0x6e: {  	_ =	shalt  }
0x6f: {  	_ =	shalt  }
0x70: {  	_ =	shalt  }
0x71: {  	_ =	shalt  }
0x72: {  	_ =	shalt  }
0x73: {  	_ =	shalt  }
0x74: {  	_ =	shalt  }
0x75: {  	_ =	shalt  }
0x76: {  	_ =	shalt  }
0x77: {  	_ =	shalt  }
0x78: {  	_ =	shalt  }
0x79: {  	_ =	shalt  }
0x7a: {  	_ =	shalt  }
0x7b: {  	_ =	shalt  }
0x7c: {  	_ =	shalt  }
0x7d: {  	_ =	shalt  }
0x7e: {  	_ =	shalt  }
0x7f: {  	_ =	shalt  }
0x80: {  	_ =	shalt  }
0x81: {  	_ =	shalt  }
0x82: {  	_ =	shalt  }
0x83: {  	_ =	shalt  }
0x84: {  	_ =	shalt  }
0x85: {  	_ =	shalt  }
0x86: {  	_ =	shalt  }
0x87: {  	_ =	shalt  }
.Lfunc_end0:
.L_simem_size_0:
called_computation_lowered:
.L_overlay_start_0:
0x88: {  	s2 =	sld [smem:$0x3FD9]  }
0x89: {  	s3 =	sld [smem:$0x3FFE];
	_ =	sdelay $0x1  }
0x8a: {  	s1 =	srdreg.scid  }
0x8b: {  	s0 =	sand.u32 $0x1, s1  }
0x8c: {  	s17 =	sshll.u32 s0, $0xA;
	s2 =	sadd.s32 s3, s2  }
0x8d: {  	s2 =	sadd.s32 s2, s17  }
0x8e: {  	[smem:$0x3FC3] =	sst s2  }
0x8f: {  	_ = 	snop  }
0x90: {  	s2 =	sld [smem:$0x3FD0];
	(tm) =	ssettm $0x1  }
0x91: {  	s18 =	sld [smem:$0x3FFB];
	_ =	sdelay $0x3  }
0x92: {  	_ =	strace s18  }
0x93: {  	s3 =	sld [smem:$0x3FFC];
	_ =	sdelay $0x3  }
0x94: {  	_ =	strace s3  }
0x95: {  	s3 =	sld [smem:$0x3FFD];
	_ =	sdelay $0x3  }
0x96: {  	_ =	strace s3  }
0x97: {  	_ =	strace $0x8FFFFFFF  }
0x98: {  	s19 =	sld [smem:$0x3FDB];
	_ =	sdelay $0x1  }
0x99: {  	s4 =	simm.s32 $_scs_section_size  }
0x9a: {  	s5 =	simm.s32 $_size__tile_overlayer_lowered;
	s6 =	simm.s32 $_tile_overlayer_lowered  }
0x9b: {  	s22 =	simm.s32 $0x1BFF;
	s21 =	sshll.u32 s6, $0x1;
	s3 =	sadd.s32 s4, s19  }
0x9c: {  	s7 =	simm.s32 $0x0;
	s20 =	sshll.u32 s5, $0x1;
	s5 =	sadd.s32 s21, s3  }
0x9d: {  	[timem:s7], [sflag:s22] =	dma.local [hbm:s5], s20  }
0x9e: {  	_ =	swait.ge [sflag:s22], s20  }
0x9f: {  	s4 =	ssub.s32 $0x0, s20;
	[sflag:s22] =	ssyncset.done $0x0  }
0xa0: {  	[sflag:s22] =	ssyncadd.s32 s4;
	_ =	sdelay $0x1  }
0xa1: {  	s23 =	simm.s32 $0x1B8B  }
0xa2: {  	_ =	swait.ge [sflag:s23], $0x1  }
0xa3: {  	[sflag:s23] =	ssyncset.done $0x0  }
0xa4: {  	s25 =	simm.s32 $0x1B8E;
	s24 =	sld [smem:$0x3FFE];
	[sflag:s23] =	ssyncadd.s32 $0xFFFFFFFF  }
0xa5: {  	s26 =	simm.s32 $execute0_lowered;
	[smem:$0x3FD2] =	sst s25  }
0xa6: {  	s5 =	sshll.u32 s26, $0x1;
	_ =	strace $0x80000046;
	[dreg:$0x1] =	wrdreg $0xFFFFFFFF  }
0xa7: {  	s28 =	simm.s32 $_size_execute0_lowered;
	s3 =	sadd.s32 s3, s5;
	[dreg:$0x0] =	wrdreg $0x0  }
0xa8: {  	s5 =	sshll.u32 s28, $0x1;
	[dreg:$0x2] =	wrdreg s3  }
0xa9: {  	[dreg:$0x3] =	wrdreg s5  }
0xaa: {  	[dreg:$0x4] =	wrdreg $0xC0  }
0xab: {  	_ =	task [dreg:s7], $0x5FFFF  }
0xac: {  	[dreg:$0x1] =	wrdreg $0xFFFFFFFF  }
0xad: {  	[dreg:$0x0] =	wrdreg $0x60  }
0xae: {  	[dreg:$0x2] =	wrdreg s24  }
0xaf: {  	[dreg:$0x3] =	wrdreg s2  }
0xb0: {  	[dreg:$0x4] =	wrdreg $0x9  }
0xb1: {  	_ =	task.clear_ibuf [dreg:s7], $0x5FFFF;
	_ =	strace $0x90000046  }
0xb2: {  	s29 =	simm.s32 $0x9;
	_ =	strace $0x80000048  }
0xb3: {  	_ =	swait.ge [sflag:s29], $0x1  }
0xb4: {  	[sflag:s29] =	ssyncadd.s32 $0xFFFFFFFF  }
0xb5: {  	_ =	strace $0x90000048  }
0xb6: {  	_ =	sfence  }
0xb7: {  	s30 =	sld [smem:$0x0];
	_ =	sdelay $0x2  }
0xb8: {  	s31 =	sshll.u32 s1, $0xD;
	s1 =	sshrl.u32 s1, $0x2  }
0xb9: {  	s3 =	sand.u32 $0x4000, s31;
	s1 =	sadd.s32 s1, s30  }
0xba: {  	s0 =	sor.u32 s3, s0;
	s1 =	sshll.u32 s1, $0x11  }
0xbb: {  	s0 =	sor.u32 s1, s0  }
0xbc: {  	s0 =	sadd.s32 $0x8F2B, s0  }
0xbd: {  	[sflag:s0] =	ssyncadd.remote.s32 $0x1  }
0xbe: {  	_ =	sfence.sel $0xFFFF  }
0xbf: {  	[dreg:$0x0] =	wrdreg $0xFFFFFFFF;
	(pc) =	sbr.abs _section_cstart, $3  }
0xc0: {  	[dreg:$0x1] =	wrdreg $0xFFFFFFFF  }
0xc1: {  	_ =	task.clear_ibuf [dreg:s7], $0x2FFFF;
	_ =	strace $0x9FFFFFFF  }
0xc2: {  	(tm) =	ssettm $0x7FFFFFFF  }
0xc3: {  	_ =	shalt  }
tec
execute0_lowered:
.L_overlay_start_1:
0x0: {  	(tag) =	ssettag $0x1  }
0x1: {  	v0 =	vimm.f32 $1.500000000e+01;
	vm0 =	vcmask $0x300;
	v1 =	vimm.s32 $0x390000  }
0x2: {  	v2 =	vimm.s32 $0x4070605;
	v7 =	vlaneseq.u32;
	vm1 =	vmmov $0xffff  }
0x3: {  	v8 =	vimm.s32 $0x2;
	v0 =	vsel vm0, $0x0, v0;
	vm0 =	vcmask $0x704  }
0x4: {  	v9 =	vimm.s32 $0x3;
	v0 =	vsel vm0, $0x3F800000, v0;
	vm0 =	vcmask $0xB08  }
0x5: {  	v10 =	vimm.s32 $0x4;
	v0 =	vsel vm0, $0x40000000, v0;
	vm0 =	vcmask $0xF0C  }
0x6: {  	v11 =	vimm.s32 $0x5;
	v0 =	vsel vm0, $0x40400000, v0;
	vm0 =	vcmask $0x1310  }
0x7: {  	v12 =	vimm.s32 $0x6;
	v0 =	vsel vm0, $0x40800000, v0;
	vm0 =	vcmask $0x1714  }
0x8: {  	s0 =	rddreg [dreg:$0x0];
	v1 =	vunpack.c.l.s2.s4 v1;
	v0 =	vsel vm0, $0x40A00000, v0;
	vm0 =	vcmask $0x1B18  }
0x9: {  	s1 =	rddreg [dreg:$0x1];
	s2 =	srdreg.scid;
	s4 =	simm.s32 $0x0;
	v4 =	vunpack.c.0.s8.s32 v2;
	v0 =	vsel vm0, $0x40C00000, v0;
	vm0 =	vcmask $0x1F1C  }
0xa: {  	s3 =	stileid.u32;
	s9 =	simm.s32 $0x2;
	s10 =	simm.s32 $0xD800;
	v2 =	vimm.s32 $0x1;
	v0 =	vsel vm0, $0x40E00000, v0;
	vm0 =	vcmask $0x2320  }
0xb: {  	s8 =	simm.s32 $0xF000;
	s11 =	simm.s32 $0xF800;
	s12 =	simm.s32 $0x1;
	v6 =	vshrl.u32 v7, $0x3;
	v0 =	vsel vm0, $0x41000000, v0;
	vm0 =	vcmask $0x2724  }
0xc: {  	s13 =	simm.s32 $0x10000;
	s2 =	sand.u32 $0x1, s2;
	[smem:$0x7FF] =	sst s4;
	v5 =	vand.u32 $0x7, v7;
	v0 =	vsel vm0, $0x41100000, v0;
	vm0 =	vcmask $0x2B28  }
0xd: {  	s3 =	sshll.u32 s3, $0x6;
	s4 =	sadd.s32 $0x4A00, s0;
	s29 =	sshll.u32 s2, $0x5;
	v1 =	vunpack.c.l.s4.s8 v1;
	v0 =	vsel vm0, $0x41200000, v0;
	vm0 =	vcmask $0x2F2C  }
0xe: {  	s5 =	sadd.s32 $0x158A00, s0;
	v7 =	vor.u32 $0x8, v7;
	s2 =	ssub.s32 $0x2, s2;
	s3 =	sor.u32 s29, s3;
	v0 =	vsel vm0, $0x41300000, v0;
	vm0 =	vcmask $0x3330  }
0xf: {  	_ =	strace $0x80000047;
	s30 =	sshrl.u32 s2, $0x1;
	s6 =	sshll.u32 s3, $0x4;
	v1 =	vunpack.c.0.s8.s32 v1;
	v0 =	vsel vm0, $0x41400000, v0;
	vm0 =	vcmask $0x3734  }
0x10: {  	v6 =	vmul.u32 $0x8, v6;
	s7 =	sadd.s32 s6, s0;
	s0 =	ssub.s32 s2, s30;
	s1 =	sadd.s32 s1, s6;
	v0 =	vsel vm0, $0x41500000, v0;
	vm0 =	vcmask $0x3B38  }
0x11: {  	s6 =	simm.s32 $0xE000;
	[dreg:$0x3] =	wrdreg s1;
	s31 =	sadd.s32 $0xA00, s7;
	v3 =	vand.u32 $0x3, v1;
	v0 =	vsel vm0, $0x41600000, v0;
	vm0 =	vcmask $0x2B00  }
0x12: {  	s2 =	simm.s32 $0x0;
	s0 =	smax.u32 s0, $0x1;
	[dreg:$0x4] =	wrdreg s31;
	v1 =	vimm.f32 $0.0e+00;
	v3 =	vnsel vm0, $0x8, v3;
	vm0 =	vcmask $0x3B2C  }
0x13: {  	s1 =	simm.s32 $0xD000;
	s7 =	simm.s32 $0xE800;
	[dreg:$0x5] =	wrdreg s0;
	v3 =	vsel vm0, v4, v3;
	vm0 =	vmmov $0x7f;
	v4 =	vimm.s32 $0x0  }
.LBB2_1:
0x14: {  	[dreg:$0x6] =	wrdreg s2  }
0x15: {  	s31 =	simm.s32 $0x0;
	s0 =	rddreg [dreg:$0x3]  }
0x16: {  	[tilespmem:s31], [sflag:$0x2] =	stream.linear.gather [hbm4b:s0+s31], $0x1000, $0x38;
	[tilespmem:$0x13800] =	vst v63  }
0x17: {  	_ =	swait.ge [sflag:s9], $0x1000  }
0x18: {  	[sflag:s9] =	ssyncset.done $0x0  }
0x19: {  	s15 =	simm.s32 $0x1000;
	s14 =	rddreg [dreg:$0x4];
	[sflag:s9] =	ssyncadd.s32 $0xFFFFF000  }
0x1a: {  	[tilespmem:s15], [sflag:$0x2] =	stream.linear.gather [hbm4b:s14+s31], $0x1000, $0x38;
	[tilespmem:$0x13800] =	vst v63  }
0x1b: {  	_ =	swait.ge [sflag:s9], $0x1000  }
0x1c: {  	[sflag:s9] =	ssyncset.done $0x0  }
0x1d: {  	s0 =	simm.s32 $0x0;
	s14 =	simm.s32 $0x0;
	[sflag:s9] =	ssyncadd.s32 $0xFFFFF000  }
.LBB2_2:
0x1e: {  	s2 =	sshll.u32 s14, $0x7  }
0x1f: {  	v14 =	vld [tilespmem:s2+$0x0];
	_ =	sdelay $0x4  }
0x20: {  	v13 =	vbroadcast v14, $0x1;
	v15 =	vbroadcast v14, $0x3  }
0x21: {  	v16 =	vbroadcast v14, $0x0;
	v17 =	vbroadcast v14, $0x2  }
0x22: {  	v13 =	vmul.f32 v0, v13;
	v15 =	vmul.f32 v0, v15  }
0x23: {  	v20 =	vld [tilespmem:s2+$0x1000]  }
0x24: {  	v16 =	vadd.f32 v13, v16;
	v13 =	vadd.f32 v15, v17  }
0x25: {  	v15 =	vbroadcast v14, $0x4  }
0x26: {  	v17 =	vmax.f32 v13, $0.0e+00  }
0x27: {  	v14 =	vmax.f32 v16, $0.0e+00;
	v18 =	vmin.f32 v15, v17  }
0x28: {  	v21 =	vbroadcast v20, $0x2;
	v14 =	vmin.f32 v15, v14;
	v19 =	vtrunc.f32 v18  }
0x29: {  	v17 =	vtrunc.f32 v14;
	v19 =	vcvt.f32.s32 v19  }
0x2a: {  	v23 =	vbroadcast v20, $0x1;
	v17 =	vcvt.f32.s32 v17  }
0x2b: {  	v22 =	vadd.s32 $0x1, v19  }
0x2c: {  	v25 =	vbroadcast v20, $0x0;
	v24 =	vmul.u32 v17, v23;
	vm2 =	vlt.s32 v22, v21  }
0x2d: {  	v40 =	vadd.s32 $0x1, v17;
	v22 =	vsel vm2, v22, v21  }
0x2e: {  	vm2 =	vlt.s32 v40, v21;
	v26 =	vperm.xlane v22, v3;
	v22 =	vadd.s32 v25, v24  }
0x2f: {  	v21 =	vsel vm2, v40, v21;
	v24 =	vperm.xlane v22, v4  }
0x30: {  	v21 =	vmul.u32 v23, v21;
	v20 =	vsel vm0, v19, v26  }
0x31: {  	v41 =	vadd.s32 v24, v20  }
0x32: {  	v21 =	vadd.s32 v25, v21;
	v24 =	vshll.u32 v41, $0x1  }
0x33: {  	v25 =	vperm.xlane v21, v4;
	v23 =	vand.u32 $0x7, v41;
	v24 =	vand.u32 $0xFFFFFFF0, v24  }
0x34: {  	v23 =	vor.u32 v23, v24  }
0x35: {  	v42 =	vadd.s32 v25, v20;
	v43 =	vperm.xlane v23, v5  }
0x36: {  	v45 =	vperm.xlane v22, v2;
	v44 =	vshll.u32 v42, $0x1;
	v24 =	vand.u32 $0x7, v42  }
0x37: {  	v23 =	vperm.xlane v23, v7;
	v26 =	vand.u32 $0xFFFFFFF0, v44;
	v25 =	vadd.s32 v6, v43  }
0x38: {  	v24 =	vor.u32 v24, v26  }
0x39: {  	v23 =	vadd.s32 v6, v23;
	v26 =	vadd.s32 v20, v45;
	v27 =	vperm.xlane v24, v5  }
0x3a: {  	v28 =	vperm.xlane v21, v2;
	v29 =	vshll.u32 v26, $0x1;
	v24 =	vperm.xlane v24, v7  }
0x3b: {  	s15 =	simm.s32 $0x0;
	s23 =	simm.s32 $0x2000;
	v26 =	vand.u32 $0x7, v26;
	v29 =	vand.u32 $0xFFFFFFF0, v29;
	v27 =	vadd.s32 v6, v27  }
0x3c: {  	v26 =	vor.u32 v26, v29;
	[tilespmem:s23], [sflag:$0x1] =	stream.indirect_vreg.gather [hbm4b:s4+s15], $0x80, v25, vm1, $0xb8;
	[tilespmem:$0x13800] =	vst v63  }
0x3d: {  	s24 =	simm.s32 $0x2800;
	v46 =	vadd.s32 v20, v28;
	v24 =	vadd.s32 v6, v24;
	v47 =	vperm.xlane v26, v5  }
0x3e: {  	v51 =	vperm.xlane v22, v8;
	v48 =	vshll.u32 v46, $0x1;
	v49 =	vand.u32 $0x7, v46;
	[tilespmem:s24], [sflag:$0x1] =	stream.indirect_vreg.gather [hbm4b:s4+s15], $0x80, v23, vm1, $0xb8;
	[tilespmem:$0x13800] =	vst v63  }
0x3f: {  	s29 =	simm.s32 $0x3000;
	v50 =	vand.u32 $0xFFFFFFF0, v48;
	v26 =	vperm.xlane v26, v7;
	v28 =	vadd.s32 v6, v47  }
0x40: {  	v23 =	vor.u32 v49, v50;
	[tilespmem:s29], [sflag:$0x1] =	stream.indirect_vreg.gather [hbm4b:s4+s15], $0x80, v27, vm1, $0xb8;
	[tilespmem:$0x13800] =	vst v63  }
0x41: {  	s25 =	simm.s32 $0x3800;
	v52 =	vadd.s32 v20, v51;
	v26 =	vadd.s32 v6, v26;
	v25 =	vperm.xlane v23, v5  }
0x42: {  	v54 =	vand.u32 $0x7, v52;
	v56 =	vperm.xlane v21, v8;
	v29 =	vshll.u32 v52, $0x1;
	[tilespmem:s25], [sflag:$0x1] =	stream.indirect_vreg.gather [hbm4b:s4+s15], $0x80, v24, vm1, $0xb8;
	[tilespmem:$0x13800] =	vst v63  }
0x43: {  	s26 =	simm.s32 $0x4000;
	v55 =	vand.u32 $0xFFFFFFF0, v29;
	v23 =	vperm.xlane v23, v7;
	v53 =	vadd.s32 v6, v25  }
0x44: {  	v25 =	vor.u32 v54, v55;
	[tilespmem:s26], [sflag:$0x1] =	stream.indirect_vreg.gather [hbm4b:s4+s15], $0x80, v28, vm1, $0xb8;
	[tilespmem:$0x13800] =	vst v63  }
0x45: {  	s28 =	simm.s32 $0x4800;
	v57 =	vadd.s32 v20, v56;
	v23 =	vadd.s32 v6, v23;
	v27 =	vperm.xlane v25, v5  }
0x46: {  	v60 =	vperm.xlane v22, v9;
	v59 =	vshll.u32 v57, $0x1;
	v25 =	vperm.xlane v25, v7;
	[tilespmem:s28], [sflag:$0x1] =	stream.indirect_vreg.gather [hbm4b:s4+s15], $0x80, v26, vm1, $0xb8;
	[tilespmem:$0x13800] =	vst v63  }
0x47: {  	s30 =	simm.s32 $0x5000;
	v58 =	vadd.s32 v6, v27;
	v28 =	vand.u32 $0x7, v57;
	v27 =	vand.u32 $0xFFFFFFF0, v59  }
0x48: {  	v62 =	vadd.s32 v20, v60;
	v61 =	vor.u32 v28, v27;
	[tilespmem:s30], [sflag:$0x1] =	stream.indirect_vreg.gather [hbm4b:s4+s15], $0x80, v53, vm1, $0xb8;
	[tilespmem:$0x13800] =	vst v63  }
0x49: {  	s31 =	simm.s32 $0x5800;
	v29 =	vshll.u32 v62, $0x1;
	v25 =	vadd.s32 v6, v25;
	v28 =	vperm.xlane v61, v5  }
0x4a: {  	v63 =	vperm.xlane v21, v9;
	v29 =	vand.u32 $0xFFFFFFF0, v29;
	[tilespmem:s31], [sflag:$0x1] =	stream.indirect_vreg.gather [hbm4b:s4+s15], $0x80, v23, vm1, $0xb8;
	[tilespmem:$0x13800] =	vst v63  }
0x4b: {  	s16 =	simm.s32 $0x6000;
	v27 =	vand.u32 $0x7, v62;
	v24 =	vperm.xlane v61, v7;
	v28 =	vadd.s32 v6, v28  }
0x4c: {  	v27 =	vor.u32 v27, v29;
	[tilespmem:s16], [sflag:$0x1] =	stream.indirect_vreg.gather [hbm4b:s4+s15], $0x80, v58, vm1, $0xb8;
	[tilespmem:$0x13800] =	vst v63  }
0x4d: {  	s17 =	simm.s32 $0x6800;
	v32 =	vperm.xlane v27, v5;
	v24 =	vadd.s32 v6, v24;
	v23 =	vadd.s32 v20, v63  }
0x4e: {  	v36 =	vperm.xlane v22, v10;
	v27 =	vperm.xlane v27, v7;
	v33 =	vshll.u32 v23, $0x1;
	[tilespmem:s17], [sflag:$0x1] =	stream.indirect_vreg.gather [hbm4b:s4+s15], $0x80, v25, vm1, $0xb8;
	[tilespmem:$0x13800] =	vst v63  }
0x4f: {  	s18 =	simm.s32 $0x7000;
	v34 =	vadd.s32 v6, v32;
	v23 =	vand.u32 $0x7, v23;
	v35 =	vand.u32 $0xFFFFFFF0, v33  }
0x50: {  	v23 =	vor.u32 v23, v35;
	[tilespmem:s18], [sflag:$0x1] =	stream.indirect_vreg.gather [hbm4b:s4+s15], $0x80, v28, vm1, $0xb8;
	[tilespmem:$0x13800] =	vst v63  }
0x51: {  	s19 =	simm.s32 $0x7800;
	v26 =	vadd.s32 v20, v36;
	v27 =	vadd.s32 v6, v27;
	v37 =	vperm.xlane v23, v5  }
0x52: {  	v39 =	vperm.xlane v21, v10;
	v40 =	vshll.u32 v26, $0x1;
	v26 =	vand.u32 $0x7, v26;
	[tilespmem:s19], [sflag:$0x1] =	stream.indirect_vreg.gather [hbm4b:s4+s15], $0x80, v24, vm1, $0xb8;
	[tilespmem:$0x13800] =	vst v63  }
0x53: {  	s20 =	simm.s32 $0x8000;
	v29 =	vand.u32 $0xFFFFFFF0, v40;
	v23 =	vperm.xlane v23, v7;
	v38 =	vadd.s32 v6, v37  }
0x54: {  	v41 =	vadd.s32 v20, v39;
	v26 =	vor.u32 v26, v29;
	[tilespmem:s20], [sflag:$0x1] =	stream.indirect_vreg.gather [hbm4b:s4+s15], $0x80, v34, vm1, $0xb8;
	[tilespmem:$0x13800] =	vst v63  }
0x55: {  	s21 =	simm.s32 $0x8800;
	v43 =	vshll.u32 v41, $0x1;
	v42 =	vperm.xlane v26, v5;
	v23 =	vadd.s32 v6, v23  }
0x56: {  	v45 =	vperm.xlane v22, v11;
	v44 =	vand.u32 $0xFFFFFFF0, v43;
	[tilespmem:s21], [sflag:$0x1] =	stream.indirect_vreg.gather [hbm4b:s4+s15], $0x80, v27, vm1, $0xb8;
	[tilespmem:$0x13800] =	vst v63  }
0x57: {  	s22 =	simm.s32 $0x9000;
	v26 =	vperm.xlane v26, v7;
	v25 =	vand.u32 $0x7, v41;
	v28 =	vadd.s32 v6, v42  }
0x58: {  	v25 =	vor.u32 v25, v44;
	[tilespmem:s22], [sflag:$0x1] =	stream.indirect_vreg.gather [hbm4b:s4+s15], $0x80, v38, vm1, $0xb8;
	[tilespmem:$0x13800] =	vst v63  }
0x59: {  	s23 =	simm.s32 $0x9800;
	v47 =	vadd.s32 v20, v45;
	v26 =	vadd.s32 v6, v26;
	v46 =	vperm.xlane v25, v5  }
0x5a: {  	v51 =	vperm.xlane v21, v11;
	v49 =	vand.u32 $0x7, v47;
	v29 =	vshll.u32 v47, $0x1;
	[tilespmem:s23], [sflag:$0x1] =	stream.indirect_vreg.gather [hbm4b:s4+s15], $0x80, v23, vm1, $0xb8;
	[tilespmem:$0x13800] =	vst v63  }
0x5b: {  	s24 =	simm.s32 $0xA000;
	v50 =	vand.u32 $0xFFFFFFF0, v29;
	v25 =	vperm.xlane v25, v7;
	v48 =	vadd.s32 v6, v46  }
0x5c: {  	v24 =	vor.u32 v49, v50;
	[tilespmem:s24], [sflag:$0x1] =	stream.indirect_vreg.gather [hbm4b:s4+s15], $0x80, v28, vm1, $0xb8;
	[tilespmem:$0x13800] =	vst v63  }
0x5d: {  	s25 =	simm.s32 $0xA800;
	v25 =	vadd.s32 v6, v25;
	v52 =	vperm.xlane v24, v5;
	v27 =	vadd.s32 v20, v51  }
0x5e: {  	v22 =	vperm.xlane v22, v12;
	v24 =	vperm.xlane v24, v7;
	v54 =	vshll.u32 v27, $0x1;
	[tilespmem:s25], [sflag:$0x1] =	stream.indirect_vreg.gather [hbm4b:s4+s15], $0x80, v26, vm1, $0xb8;
	[tilespmem:$0x13800] =	vst v63  }
0x5f: {  	s26 =	simm.s32 $0xB000;
	v53 =	vadd.s32 v6, v52;
	v27 =	vand.u32 $0x7, v27;
	v28 =	vand.u32 $0xFFFFFFF0, v54  }
0x60: {  	v56 =	vor.u32 v27, v28;
	[tilespmem:s26], [sflag:$0x1] =	stream.indirect_vreg.gather [hbm4b:s4+s15], $0x80, v48, vm1, $0xb8;
	[tilespmem:$0x13800] =	vst v63  }
0x61: {  	v22 =	vadd.s32 v20, v22;
	s28 =	simm.s32 $0xB800;
	v55 =	vadd.s32 v6, v24;
	v28 =	vperm.xlane v56, v5  }
0x62: {  	v21 =	vperm.xlane v21, v12;
	v57 =	vshll.u32 v22, $0x1;
	v22 =	vand.u32 $0x7, v22;
	[tilespmem:s28], [sflag:$0x1] =	stream.indirect_vreg.gather [hbm4b:s4+s15], $0x80, v25, vm1, $0xb8;
	[tilespmem:$0x13800] =	vst v63  }
0x63: {  	s30 =	simm.s32 $0xC000;
	v27 =	vand.u32 $0xFFFFFFF0, v57;
	v24 =	vperm.xlane v56, v7;
	v58 =	vadd.s32 v6, v28  }
0x64: {  	v22 =	vor.u32 v22, v27;
	[tilespmem:s30], [sflag:$0x1] =	stream.indirect_vreg.gather [hbm4b:s4+s15], $0x80, v53, vm1, $0xb8;
	[tilespmem:$0x13800] =	vst v63  }
0x65: {  	s31 =	simm.s32 $0xC800;
	v20 =	vadd.s32 v20, v21;
	v59 =	vperm.xlane v22, v5;
	v60 =	vadd.s32 v6, v24  }
0x66: {  	v62 =	vshll.u32 v20, $0x1;
	v20 =	vand.u32 $0x7, v20;
	[tilespmem:s31], [sflag:$0x1] =	stream.indirect_vreg.gather [hbm4b:s4+s15], $0x80, v55, vm1, $0xb8;
	[tilespmem:$0x13800] =	vst v63  }
0x67: {  	v22 =	vperm.xlane v22, v7;
	v24 =	vand.u32 $0xFFFFFFF0, v62;
	v61 =	vadd.s32 v6, v59  }
0x68: {  	v20 =	vor.u32 v20, v24;
	[tilespmem:s1], [sflag:$0x1] =	stream.indirect_vreg.gather [hbm4b:s4+s15], $0x80, v58, vm1, $0xb8;
	[tilespmem:$0x13800] =	vst v63  }
0x69: {  	v22 =	vadd.s32 v6, v22;
	v24 =	vperm.xlane v20, v5  }
0x6a: {  	[tilespmem:s10], [sflag:$0x1] =	stream.indirect_vreg.gather [hbm4b:s4+s15], $0x80, v60, vm1, $0xb8;
	[tilespmem:$0x13800] =	vst v63  }
0x6b: {  	v20 =	vperm.xlane v20, v7;
	v63 =	vadd.s32 v6, v24  }
0x6c: {  	[tilespmem:s6], [sflag:$0x1] =	stream.indirect_vreg.gather [hbm4b:s4+s15], $0x80, v61, vm1, $0xb8;
	[tilespmem:$0x13800] =	vst v63  }
0x6d: {  	v20 =	vadd.s32 v6, v20  }
0x6e: {  	[tilespmem:s7], [sflag:$0x1] =	stream.indirect_vreg.gather [hbm4b:s4+s15], $0x80, v22, vm1, $0xb8;
	[tilespmem:$0x13800] =	vst v63  }
0x6f: {  	_ = 	snop  }
0x70: {  	[tilespmem:s8], [sflag:$0x1] =	stream.indirect_vreg.gather [hbm4b:s4+s15], $0x80, v63, vm1, $0xb8;
	[tilespmem:$0x13800] =	vst v63  }
0x71: {  	_ = 	snop  }
0x72: {  	[tilespmem:s11], [sflag:$0x1] =	stream.indirect_vreg.gather [hbm4b:s4+s15], $0x80, v20, vm1, $0xb8;
	[tilespmem:$0x13800] =	vst v63  }
0x73: {  	_ =	swait.ge [sflag:s12], $0x1000  }
0x74: {  	[sflag:s12] =	ssyncset.done $0x0  }
0x75: {  	[sflag:s12] =	ssyncadd.s32 $0xFFFFF000  }
0x76: {  	_ =	swait.ge [sflag:s12], $0x1000  }
0x77: {  	[sflag:s12] =	ssyncset.done $0x0  }
0x78: {  	[sflag:s12] =	ssyncadd.s32 $0xFFFFF000  }
0x79: {  	_ =	swait.ge [sflag:s12], $0x1000  }
0x7a: {  	[sflag:s12] =	ssyncset.done $0x0  }
0x7b: {  	[sflag:s12] =	ssyncadd.s32 $0xFFFFF000  }
0x7c: {  	_ =	swait.ge [sflag:s12], $0x1000  }
0x7d: {  	[sflag:s12] =	ssyncset.done $0x0  }
0x7e: {  	[sflag:s12] =	ssyncadd.s32 $0xFFFFF000  }
0x7f: {  	_ =	swait.ge [sflag:s12], $0x1000  }
0x80: {  	[sflag:s12] =	ssyncset.done $0x0  }
0x81: {  	[sflag:s12] =	ssyncadd.s32 $0xFFFFF000  }
0x82: {  	_ =	swait.ge [sflag:s12], $0x1000  }
0x83: {  	[sflag:s12] =	ssyncset.done $0x0  }
0x84: {  	[sflag:s12] =	ssyncadd.s32 $0xFFFFF000  }
0x85: {  	_ =	swait.ge [sflag:s12], $0x1000  }
0x86: {  	[sflag:s12] =	ssyncset.done $0x0  }
0x87: {  	[sflag:s12] =	ssyncadd.s32 $0xFFFFF000  }
0x88: {  	_ =	swait.ge [sflag:s12], $0x1000  }
0x89: {  	[sflag:s12] =	ssyncset.done $0x0  }
0x8a: {  	[sflag:s12] =	ssyncadd.s32 $0xFFFFF000  }
0x8b: {  	_ =	swait.ge [sflag:s12], $0x1000  }
0x8c: {  	[sflag:s12] =	ssyncset.done $0x0  }
0x8d: {  	[sflag:s12] =	ssyncadd.s32 $0xFFFFF000  }
0x8e: {  	_ =	swait.ge [sflag:s12], $0x1000  }
0x8f: {  	[sflag:s12] =	ssyncset.done $0x0  }
0x90: {  	[sflag:s12] =	ssyncadd.s32 $0xFFFFF000  }
0x91: {  	_ =	swait.ge [sflag:s12], $0x1000  }
0x92: {  	[sflag:s12] =	ssyncset.done $0x0  }
0x93: {  	[sflag:s12] =	ssyncadd.s32 $0xFFFFF000  }
0x94: {  	_ =	swait.ge [sflag:s12], $0x1000  }
0x95: {  	[sflag:s12] =	ssyncset.done $0x0  }
0x96: {  	v19 =	vcvt.s32.f32 v19;
	[sflag:s12] =	ssyncadd.s32 $0xFFFFF000  }
0x97: {  	vm3 =	vle.f32 v16, v15;
	_ =	swait.ge [sflag:s12], $0x1000  }
0x98: {  	vm4 =	vle.f32 v13, v15;
	vm2 =	vge.f32 v16, $0.0e+00;
	v16 =	vsub.f32 v18, v19;
	[sflag:s12] =	ssyncset.done $0x0  }
0x99: {  	v15 =	vcvt.s32.f32 v17;
	vm2 =	vmand vm2, vm3;
	vm3 =	vge.f32 v13, $0.0e+00;
	[sflag:s12] =	ssyncadd.s32 $0xFFFFF000  }
0x9a: {  	vm3 =	vmand vm3, vm4;
	v17 =	vsub.f32 $1.000000000e+00, v16;
	_ =	swait.ge [sflag:s12], $0x1000  }
0x9b: {  	v14 =	vsub.f32 v14, v15;
	v18 =	vsel vm3, $0x3F800000, v1;
	[sflag:s12] =	ssyncset.done $0x0  }
0x9c: {  	v13 =	vsel vm2, $0x3F800000, v1;
	v16 =	vmul.f32 v16, v18;
	v15 =	vmul.f32 v17, v18;
	s18 =	simm.s32 $0x0;
	s24 =	simm.s32 $0x10400;
	[sflag:s12] =	ssyncadd.s32 $0xFFFFF000  }
.LBB2_3:
0x9d: {  	v17 =	vmov s18  }
0x9e: {  	v17 =	vand.u32 $0xF, v17  }
0x9f: {  	v17 =	vbroadcast v17, $0x0;
	_ =	sdelay $0x1  }
0xa0: {  	v18 =	vperm.xlane v14, v17  }
0xa1: {  	s2 =	sshll.u32 s18, $0xD;
	s16 =	simm.s32 $0x700  }
0xa2: {  	s20 =	simm.s32 $0x380;
	s19 =	sadd.s32 $0x2000, s2;
	s16 =	sand.u32 $0x800, s16;
	v17 =	vperm.xlane v13, v17;
	v19 =	vsub.f32 $1.000000000e+00, v18  }
0xa3: {  	v20 =	vmov s15;
	s17 =	sand.u32 $0x380, s20;
	s21 =	sadd.s32 s16, s19  }
0xa4: {  	v25 =	vld [tilespmem:s29+$0xFFFFF000];
	v20 =	vand.u32 $0xF, v20;
	s22 =	sadd.s32 s17, s21;
	v19 =	vmul.f32 v17, v19  }
0xa5: {  	v26 =	vbroadcast v20, $0x0;
	v24 =	vld [tilespmem:s22+$0x0];
	v23 =	vmul.f32 v17, v18  }
0xa6: {  	s21 =	sadd.s32 $0x3000, s2;
	v17 =	vmul.f32 v19, v15;
	v18 =	vmul.f32 v19, v16  }
0xa7: {  	v27 =	vld [tilespmem:s29+$0x0];
	s2 =	sadd.s32 s16, s21;
	v19 =	vmul.f32 v23, v15  }
0xa8: {  	s23 =	sadd.s32 s17, s2;
	v21 =	vperm.xlane v17, v26;
	v22 =	vperm.xlane v18, v26  }
0xa9: {  	v28 =	vld [tilespmem:s23+$0x0];
	v20 =	vmul.f32 v23, v16;
	v23 =	vperm.xlane v19, v26  }
0xaa: {  	v25 =	vmul.f32 v25, v21;
	v29 =	vmul.f32 v24, v22;
	_ =	sdelay $0x1  }
0xab: {  	v24 =	vperm.xlane v20, v26;
	v26 =	vmul.f32 v27, v23;
	v25 =	vadd.f32 v29, v25;
	_ =	sdelay $0x1  }
0xac: {  	v27 =	vmul.f32 v28, v24;
	v25 =	vadd.f32 v26, v25;
	_ =	sdelay $0x1  }
0xad: {  	v25 =	vadd.f32 v27, v25;
	_ =	sdelay $0x1  }
0xae: {  	[tilespmem:s24+$0xFFFFFC00] =	vst v25  }
0xaf: {  	v25 =	vld [tilespmem:s29+$0xFFFFF010]  }
0xb0: {  	v26 =	vld [tilespmem:s22+$0x10];
	_ =	sdelay $0x1  }
0xb1: {  	v27 =	vld [tilespmem:s29+$0x10];
	_ =	sdelay $0x1  }
0xb2: {  	v50 =	vld [tilespmem:s23+$0x10]  }
0xb3: {  	v25 =	vmul.f32 v25, v21;
	v26 =	vmul.f32 v26, v22;
	_ =	sdelay $0x1  }
0xb4: {  	v25 =	vadd.f32 v26, v25;
	v26 =	vmul.f32 v27, v23;
	_ =	sdelay $0x1  }
0xb5: {  	v25 =	vadd.f32 v26, v25;
	v26 =	vmul.f32 v50, v24;
	_ =	sdelay $0x1  }
0xb6: {  	v25 =	vadd.f32 v26, v25;
	_ =	sdelay $0x1  }
0xb7: {  	[tilespmem:s24+$0xFFFFFC10] =	vst v25  }
0xb8: {  	v25 =	vld [tilespmem:s29+$0xFFFFF020]  }
0xb9: {  	v26 =	vld [tilespmem:s22+$0x20];
	_ =	sdelay $0x1  }
0xba: {  	v27 =	vld [tilespmem:s29+$0x20];
	_ =	sdelay $0x1  }
0xbb: {  	v51 =	vld [tilespmem:s23+$0x20]  }
0xbc: {  	v25 =	vmul.f32 v25, v21;
	v26 =	vmul.f32 v26, v22;
	_ =	sdelay $0x1  }
0xbd: {  	v25 =	vadd.f32 v26, v25;
	v26 =	vmul.f32 v27, v23;
	_ =	sdelay $0x1  }
0xbe: {  	v25 =	vadd.f32 v26, v25;
	v26 =	vmul.f32 v51, v24;
	_ =	sdelay $0x1  }
0xbf: {  	v25 =	vadd.f32 v26, v25;
	_ =	sdelay $0x1  }
0xc0: {  	[tilespmem:s24+$0xFFFFFC20] =	vst v25  }
0xc1: {  	v25 =	vld [tilespmem:s29+$0xFFFFF030]  }
0xc2: {  	v26 =	vld [tilespmem:s22+$0x30];
	_ =	sdelay $0x1  }
0xc3: {  	v27 =	vld [tilespmem:s29+$0x30];
	_ =	sdelay $0x1  }
0xc4: {  	v52 =	vld [tilespmem:s23+$0x30]  }
0xc5: {  	v25 =	vmul.f32 v25, v21;
	v26 =	vmul.f32 v26, v22;
	_ =	sdelay $0x1  }
0xc6: {  	v25 =	vadd.f32 v26, v25;
	v26 =	vmul.f32 v27, v23;
	_ =	sdelay $0x1  }
0xc7: {  	v25 =	vadd.f32 v26, v25;
	v26 =	vmul.f32 v52, v24;
	_ =	sdelay $0x1  }
0xc8: {  	v25 =	vadd.f32 v26, v25;
	_ =	sdelay $0x1  }
0xc9: {  	[tilespmem:s24+$0xFFFFFC30] =	vst v25  }
0xca: {  	v25 =	vld [tilespmem:s29+$0xFFFFF040]  }
0xcb: {  	v26 =	vld [tilespmem:s22+$0x40];
	_ =	sdelay $0x1  }
0xcc: {  	v27 =	vld [tilespmem:s29+$0x40];
	_ =	sdelay $0x1  }
0xcd: {  	v53 =	vld [tilespmem:s23+$0x40]  }
0xce: {  	v25 =	vmul.f32 v25, v21;
	v26 =	vmul.f32 v26, v22;
	_ =	sdelay $0x1  }
0xcf: {  	v25 =	vadd.f32 v26, v25;
	v26 =	vmul.f32 v27, v23;
	_ =	sdelay $0x1  }
0xd0: {  	v25 =	vadd.f32 v26, v25;
	v26 =	vmul.f32 v53, v24;
	_ =	sdelay $0x1  }
0xd1: {  	v25 =	vadd.f32 v26, v25;
	_ =	sdelay $0x1  }
0xd2: {  	[tilespmem:s24+$0xFFFFFC40] =	vst v25  }
0xd3: {  	v25 =	vld [tilespmem:s29+$0xFFFFF050]  }
0xd4: {  	v26 =	vld [tilespmem:s22+$0x50];
	_ =	sdelay $0x1  }
0xd5: {  	v27 =	vld [tilespmem:s29+$0x50];
	_ =	sdelay $0x1  }
0xd6: {  	v54 =	vld [tilespmem:s23+$0x50]  }
0xd7: {  	v25 =	vmul.f32 v25, v21;
	v26 =	vmul.f32 v26, v22;
	_ =	sdelay $0x1  }
0xd8: {  	v25 =	vadd.f32 v26, v25;
	v26 =	vmul.f32 v27, v23;
	_ =	sdelay $0x1  }
0xd9: {  	v25 =	vadd.f32 v26, v25;
	v26 =	vmul.f32 v54, v24;
	_ =	sdelay $0x1  }
0xda: {  	v25 =	vadd.f32 v26, v25;
	_ =	sdelay $0x1  }
0xdb: {  	[tilespmem:s24+$0xFFFFFC50] =	vst v25  }
0xdc: {  	v25 =	vld [tilespmem:s29+$0xFFFFF060]  }
0xdd: {  	v26 =	vld [tilespmem:s22+$0x60];
	_ =	sdelay $0x1  }
0xde: {  	v27 =	vld [tilespmem:s29+$0x60];
	_ =	sdelay $0x1  }
0xdf: {  	v55 =	vld [tilespmem:s23+$0x60]  }
0xe0: {  	v25 =	vmul.f32 v25, v21;
	v26 =	vmul.f32 v26, v22;
	_ =	sdelay $0x1  }
0xe1: {  	v25 =	vadd.f32 v26, v25;
	v26 =	vmul.f32 v27, v23;
	_ =	sdelay $0x1  }
0xe2: {  	v25 =	vadd.f32 v26, v25;
	v26 =	vmul.f32 v55, v24;
	_ =	sdelay $0x1  }
0xe3: {  	v25 =	vadd.f32 v26, v25;
	_ =	sdelay $0x1  }
0xe4: {  	[tilespmem:s24+$0xFFFFFC60] =	vst v25  }
0xe5: {  	v25 =	vld [tilespmem:s29+$0xFFFFF070]  }
0xe6: {  	v26 =	vld [tilespmem:s22+$0x70];
	_ =	sdelay $0x1  }
0xe7: {  	v27 =	vld [tilespmem:s29+$0x70];
	_ =	sdelay $0x1  }
0xe8: {  	v56 =	vld [tilespmem:s23+$0x70]  }
0xe9: {  	v25 =	vmul.f32 v25, v21;
	v26 =	vmul.f32 v26, v22;
	_ =	sdelay $0x1  }
0xea: {  	v25 =	vadd.f32 v26, v25;
	v26 =	vmul.f32 v27, v23;
	_ =	sdelay $0x1  }
0xeb: {  	v25 =	vadd.f32 v26, v25;
	v26 =	vmul.f32 v56, v24;
	_ =	sdelay $0x1  }
0xec: {  	v25 =	vadd.f32 v26, v25;
	_ =	sdelay $0x1  }
0xed: {  	[tilespmem:s24+$0xFFFFFC70] =	vst v25  }
0xee: {  	v25 =	vld [tilespmem:s29+$0xFFFFF400]  }
0xef: {  	v26 =	vld [tilespmem:s22+$0x400];
	_ =	sdelay $0x1  }
0xf0: {  	v27 =	vld [tilespmem:s29+$0x400];
	_ =	sdelay $0x1  }
0xf1: {  	v57 =	vld [tilespmem:s23+$0x400]  }
0xf2: {  	v25 =	vmul.f32 v25, v21;
	v26 =	vmul.f32 v26, v22;
	_ =	sdelay $0x1  }
0xf3: {  	v25 =	vadd.f32 v26, v25;
	v26 =	vmul.f32 v27, v23;
	_ =	sdelay $0x1  }
0xf4: {  	v25 =	vadd.f32 v26, v25;
	v26 =	vmul.f32 v57, v24;
	_ =	sdelay $0x1  }
0xf5: {  	v25 =	vadd.f32 v26, v25;
	_ =	sdelay $0x1  }
0xf6: {  	[tilespmem:s24+$0x0] =	vst v25  }
0xf7: {  	v25 =	vld [tilespmem:s29+$0xFFFFF410]  }
0xf8: {  	v26 =	vld [tilespmem:s22+$0x410];
	_ =	sdelay $0x1  }
0xf9: {  	v27 =	vld [tilespmem:s29+$0x410];
	_ =	sdelay $0x1  }
0xfa: {  	v58 =	vld [tilespmem:s23+$0x410]  }
0xfb: {  	v25 =	vmul.f32 v25, v21;
	v26 =	vmul.f32 v26, v22;
	_ =	sdelay $0x1  }
0xfc: {  	v25 =	vadd.f32 v26, v25;
	v26 =	vmul.f32 v27, v23;
	_ =	sdelay $0x1  }
0xfd: {  	v25 =	vadd.f32 v26, v25;
	v26 =	vmul.f32 v58, v24;
	_ =	sdelay $0x1  }
0xfe: {  	v25 =	vadd.f32 v26, v25;
	_ =	sdelay $0x1  }
0xff: {  	[tilespmem:s24+$0x10] =	vst v25  }
0x100: {  	v25 =	vld [tilespmem:s22+$0x420]  }
0x101: {  	v26 =	vld [tilespmem:s29+$0xFFFFF420];
	_ =	sdelay $0x1  }
0x102: {  	v27 =	vld [tilespmem:s29+$0x420];
	_ =	sdelay $0x1  }
0x103: {  	v59 =	vld [tilespmem:s23+$0x420]  }
0x104: {  	v25 =	vmul.f32 v25, v22;
	v26 =	vmul.f32 v26, v21;
	_ =	sdelay $0x1  }
0x105: {  	v25 =	vadd.f32 v25, v26;
	v26 =	vmul.f32 v27, v23;
	_ =	sdelay $0x1  }
0x106: {  	v25 =	vadd.f32 v26, v25;
	v26 =	vmul.f32 v59, v24;
	_ =	sdelay $0x1  }
0x107: {  	v25 =	vadd.f32 v26, v25;
	_ =	sdelay $0x1  }
0x108: {  	[tilespmem:s24+$0x20] =	vst v25  }
0x109: {  	v25 =	vld [tilespmem:s29+$0xFFFFF430]  }
0x10a: {  	v26 =	vld [tilespmem:s22+$0x430];
	_ =	sdelay $0x1  }
0x10b: {  	v27 =	vld [tilespmem:s29+$0x430];
	_ =	sdelay $0x1  }
0x10c: {  	v60 =	vld [tilespmem:s23+$0x430]  }
0x10d: {  	v25 =	vmul.f32 v25, v21;
	v26 =	vmul.f32 v26, v22;
	_ =	sdelay $0x1  }
0x10e: {  	v25 =	vadd.f32 v26, v25;
	v26 =	vmul.f32 v27, v23;
	_ =	sdelay $0x1  }
0x10f: {  	v25 =	vadd.f32 v26, v25;
	v26 =	vmul.f32 v60, v24;
	_ =	sdelay $0x1  }
0x110: {  	v25 =	vadd.f32 v26, v25;
	_ =	sdelay $0x1  }
0x111: {  	[tilespmem:s24+$0x30] =	vst v25  }
0x112: {  	v25 =	vld [tilespmem:s29+$0xFFFFF440]  }
0x113: {  	v26 =	vld [tilespmem:s22+$0x440];
	_ =	sdelay $0x1  }
0x114: {  	v27 =	vld [tilespmem:s29+$0x440];
	_ =	sdelay $0x1  }
0x115: {  	v61 =	vld [tilespmem:s23+$0x440]  }
0x116: {  	v25 =	vmul.f32 v25, v21;
	v26 =	vmul.f32 v26, v22;
	_ =	sdelay $0x1  }
0x117: {  	v25 =	vadd.f32 v26, v25;
	v26 =	vmul.f32 v27, v23;
	_ =	sdelay $0x1  }
0x118: {  	v25 =	vadd.f32 v26, v25;
	v26 =	vmul.f32 v61, v24;
	_ =	sdelay $0x1  }
0x119: {  	v25 =	vadd.f32 v26, v25;
	_ =	sdelay $0x1  }
0x11a: {  	[tilespmem:s24+$0x40] =	vst v25  }
0x11b: {  	v25 =	vld [tilespmem:s29+$0xFFFFF450]  }
0x11c: {  	v26 =	vld [tilespmem:s22+$0x450];
	_ =	sdelay $0x1  }
0x11d: {  	v27 =	vld [tilespmem:s29+$0x450];
	_ =	sdelay $0x1  }
0x11e: {  	v62 =	vld [tilespmem:s23+$0x450]  }
0x11f: {  	v25 =	vmul.f32 v25, v21;
	v26 =	vmul.f32 v26, v22;
	_ =	sdelay $0x1  }
0x120: {  	v25 =	vadd.f32 v26, v25;
	v26 =	vmul.f32 v27, v23;
	_ =	sdelay $0x1  }
0x121: {  	v25 =	vadd.f32 v26, v25;
	v26 =	vmul.f32 v62, v24;
	_ =	sdelay $0x1  }
0x122: {  	v25 =	vadd.f32 v26, v25;
	_ =	sdelay $0x1  }
0x123: {  	[tilespmem:s24+$0x50] =	vst v25  }
0x124: {  	v25 =	vld [tilespmem:s29+$0xFFFFF460]  }
0x125: {  	v26 =	vld [tilespmem:s22+$0x460];
	_ =	sdelay $0x1  }
0x126: {  	v27 =	vld [tilespmem:s29+$0x460];
	_ =	sdelay $0x1  }
0x127: {  	v63 =	vld [tilespmem:s23+$0x460]  }
0x128: {  	v25 =	vmul.f32 v25, v21;
	v26 =	vmul.f32 v26, v22;
	_ =	sdelay $0x1  }
0x129: {  	v25 =	vadd.f32 v26, v25;
	v26 =	vmul.f32 v27, v23;
	_ =	sdelay $0x1  }
0x12a: {  	s25 =	simm.s32 $0x800;
	s26 =	sadd.s32 $0x80, s24;
	s28 =	simm.s32 $0x0;
	v25 =	vadd.f32 v26, v25;
	v26 =	vmul.f32 v63, v24  }
0x12b: {  	s16 =	smov.u32 s29;
	s2 =	smov.u32 s29;
	s17 =	smov.u32 s24  }
.LBB2_4:
0x12c: {  	v25 =	vadd.f32 v26, v25;
	s28 =	sadd.s32 $0x1, s28;
	s20 =	sadd.s32 $0x80, s20;
	s2 =	sadd.s32 $0x80, s2  }
0x12d: {  	p0 =	sne.s32 s25, $0xD00;
	s30 =	smov.u32 s25;
	s25 =	sadd.s32 $0x100, s25  }
0x12e: {  	[tilespmem:s17+$0x60] =	vst v25  }
0x12f: {  	v25 =	vld [tilespmem:s16+$0xFFFFF470]  }
0x130: {  	v26 =	vld [tilespmem:s22+$0x470]  }
0x131: {  	v27 =	vld [tilespmem:s16+$0x470];
	s16 =	smov.u32 s2  }
0x132: {  	v28 =	vld [tilespmem:s23+$0x470];
	_ =	sdelay $0x2  }
0x133: {  	v21 =	vmul.f32 v25, v21;
	v22 =	vmul.f32 v26, v22;
	_ =	sdelay $0x1  }
0x134: {  	v21 =	vadd.f32 v22, v21;
	v22 =	vmul.f32 v27, v23;
	_ =	sdelay $0x1  }
0x135: {  	v21 =	vadd.f32 v22, v21;
	v22 =	vmul.f32 v28, v24  }
0x136: {  	s22 =	sand.u32 $0x800, s30  }
0x137: {  	s30 =	sadd.s32 s22, s19;
	s31 =	sadd.s32 s22, s21;
	s23 =	sand.u32 $0x380, s20;
	v21 =	vadd.f32 v22, v21  }
0x138: {  	s22 =	sadd.s32 s23, s30;
	s23 =	sadd.s32 s23, s31  }
0x139: {  	[tilespmem:s17+$0x70] =	vst v21;
	s17 =	smov.u32 s26  }
0x13a: {  	v21 =	vmov s28;
	v24 =	vld [tilespmem:s22+$0x0]  }
0x13b: {  	v21 =	vand.u32 $0xF, v21;
	v25 =	vld [tilespmem:s2+$0xFFFFF000]  }
0x13c: {  	v26 =	vbroadcast v21, $0x0;
	v27 =	vld [tilespmem:s2+$0x0];
	_ =	sdelay $0x1  }
0x13d: {  	v21 =	vperm.xlane v17, v26;
	v22 =	vperm.xlane v18, v26;
	v28 =	vld [tilespmem:s23+$0x0]  }
0x13e: {  	v23 =	vperm.xlane v19, v26  }
0x13f: {  	v29 =	vmul.f32 v24, v22;
	v25 =	vmul.f32 v25, v21  }
0x140: {  	v24 =	vperm.xlane v20, v26;
	v26 =	vmul.f32 v27, v23  }
0x141: {  	v25 =	vadd.f32 v29, v25  }
0x142: {  	v27 =	vmul.f32 v28, v24  }
0x143: {  	v25 =	vadd.f32 v26, v25;
	_ =	sdelay $0x1  }
0x144: {  	v25 =	vadd.f32 v27, v25;
	_ =	sdelay $0x1  }
0x145: {  	[tilespmem:s26+$0xFFFFFC00] =	vst v25  }
0x146: {  	v25 =	vld [tilespmem:s2+$0xFFFFF010]  }
0x147: {  	v26 =	vld [tilespmem:s22+$0x10];
	_ =	sdelay $0x1  }
0x148: {  	v27 =	vld [tilespmem:s2+$0x10];
	_ =	sdelay $0x1  }
0x149: {  	v28 =	vld [tilespmem:s23+$0x10]  }
0x14a: {  	v25 =	vmul.f32 v25, v21;
	v26 =	vmul.f32 v26, v22;
	_ =	sdelay $0x1  }
0x14b: {  	v25 =	vadd.f32 v26, v25;
	v26 =	vmul.f32 v27, v23;
	_ =	sdelay $0x1  }
0x14c: {  	v25 =	vadd.f32 v26, v25;
	v26 =	vmul.f32 v28, v24;
	_ =	sdelay $0x1  }
0x14d: {  	v25 =	vadd.f32 v26, v25;
	_ =	sdelay $0x1  }
0x14e: {  	[tilespmem:s26+$0xFFFFFC10] =	vst v25  }
0x14f: {  	v25 =	vld [tilespmem:s2+$0xFFFFF020]  }
0x150: {  	v26 =	vld [tilespmem:s22+$0x20]  }
0x151: {  	v27 =	vld [tilespmem:s2+$0x20]  }
0x152: {  	v28 =	vld [tilespmem:s23+$0x20];
	_ =	sdelay $0x1  }
0x153: {  	v25 =	vmul.f32 v25, v21  }
0x154: {  	v26 =	vmul.f32 v26, v22;
	_ =	sdelay $0x1  }
0x155: {  	v25 =	vadd.f32 v26, v25;
	v26 =	vmul.f32 v27, v23;
	_ =	sdelay $0x1  }
0x156: {  	v25 =	vadd.f32 v26, v25;
	v26 =	vmul.f32 v28, v24;
	_ =	sdelay $0x1  }
0x157: {  	v25 =	vadd.f32 v26, v25;
	_ =	sdelay $0x1  }
0x158: {  	[tilespmem:s26+$0xFFFFFC20] =	vst v25  }
0x159: {  	v25 =	vld [tilespmem:s2+$0xFFFFF030]  }
0x15a: {  	v26 =	vld [tilespmem:s22+$0x30];
	_ =	sdelay $0x1  }
0x15b: {  	v27 =	vld [tilespmem:s2+$0x30];
	_ =	sdelay $0x1  }
0x15c: {  	v28 =	vld [tilespmem:s23+$0x30];
	v25 =	vmul.f32 v25, v21  }
0x15d: {  	v26 =	vmul.f32 v26, v22;
	_ =	sdelay $0x1  }
0x15e: {  	v25 =	vadd.f32 v26, v25;
	v26 =	vmul.f32 v27, v23;
	_ =	sdelay $0x1  }
0x15f: {  	v25 =	vadd.f32 v26, v25;
	v26 =	vmul.f32 v28, v24;
	_ =	sdelay $0x1  }
0x160: {  	v25 =	vadd.f32 v26, v25;
	_ =	sdelay $0x1  }
0x161: {  	[tilespmem:s26+$0xFFFFFC30] =	vst v25  }
0x162: {  	v25 =	vld [tilespmem:s2+$0xFFFFF040]  }
0x163: {  	v26 =	vld [tilespmem:s22+$0x40]  }
0x164: {  	v27 =	vld [tilespmem:s2+$0x40]  }
0x165: {  	v28 =	vld [tilespmem:s23+$0x40];
	_ =	sdelay $0x1  }
0x166: {  	v25 =	vmul.f32 v25, v21  }
0x167: {  	v26 =	vmul.f32 v26, v22;
	_ =	sdelay $0x1  }
0x168: {  	v25 =	vadd.f32 v26, v25;
	v26 =	vmul.f32 v27, v23;
	_ =	sdelay $0x1  }
0x169: {  	v25 =	vadd.f32 v26, v25;
	v26 =	vmul.f32 v28, v24;
	_ =	sdelay $0x1  }
0x16a: {  	v25 =	vadd.f32 v26, v25;
	_ =	sdelay $0x1  }
0x16b: {  	[tilespmem:s26+$0xFFFFFC40] =	vst v25  }
0x16c: {  	v25 =	vld [tilespmem:s2+$0xFFFFF050]  }
0x16d: {  	v26 =	vld [tilespmem:s22+$0x50]  }
0x16e: {  	v27 =	vld [tilespmem:s2+$0x50]  }
0x16f: {  	v28 =	vld [tilespmem:s23+$0x50];
	_ =	sdelay $0x1  }
0x170: {  	v25 =	vmul.f32 v25, v21  }
0x171: {  	v26 =	vmul.f32 v26, v22;
	_ =	sdelay $0x1  }
0x172: {  	v25 =	vadd.f32 v26, v25;
	v26 =	vmul.f32 v27, v23;
	_ =	sdelay $0x1  }
0x173: {  	v25 =	vadd.f32 v26, v25;
	v26 =	vmul.f32 v28, v24;
	_ =	sdelay $0x1  }
0x174: {  	v25 =	vadd.f32 v26, v25;
	_ =	sdelay $0x1  }
0x175: {  	[tilespmem:s26+$0xFFFFFC50] =	vst v25  }
0x176: {  	v25 =	vld [tilespmem:s2+$0xFFFFF060]  }
0x177: {  	v26 =	vld [tilespmem:s22+$0x60]  }
0x178: {  	v27 =	vld [tilespmem:s2+$0x60]  }
0x179: {  	v28 =	vld [tilespmem:s23+$0x60];
	_ =	sdelay $0x1  }
0x17a: {  	v25 =	vmul.f32 v25, v21  }
0x17b: {  	v26 =	vmul.f32 v26, v22;
	_ =	sdelay $0x1  }
0x17c: {  	v25 =	vadd.f32 v26, v25;
	v26 =	vmul.f32 v27, v23;
	_ =	sdelay $0x1  }
0x17d: {  	v25 =	vadd.f32 v26, v25;
	v26 =	vmul.f32 v28, v24;
	_ =	sdelay $0x1  }
0x17e: {  	v25 =	vadd.f32 v26, v25;
	_ =	sdelay $0x1  }
0x17f: {  	[tilespmem:s26+$0xFFFFFC60] =	vst v25  }
0x180: {  	v25 =	vld [tilespmem:s2+$0xFFFFF070]  }
0x181: {  	v26 =	vld [tilespmem:s22+$0x70]  }
0x182: {  	v27 =	vld [tilespmem:s2+$0x70];
	_ =	sdelay $0x2  }
0x183: {  	v28 =	vld [tilespmem:s23+$0x70]  }
0x184: {  	v25 =	vmul.f32 v25, v21;
	v26 =	vmul.f32 v26, v22;
	_ =	sdelay $0x1  }
0x185: {  	v25 =	vadd.f32 v26, v25;
	v26 =	vmul.f32 v27, v23;
	_ =	sdelay $0x1  }
0x186: {  	v25 =	vadd.f32 v26, v25;
	v26 =	vmul.f32 v28, v24;
	_ =	sdelay $0x1  }
0x187: {  	v25 =	vadd.f32 v26, v25;
	_ =	sdelay $0x1  }
0x188: {  	[tilespmem:s26+$0xFFFFFC70] =	vst v25  }
0x189: {  	v25 =	vld [tilespmem:s2+$0xFFFFF400]  }
0x18a: {  	v26 =	vld [tilespmem:s22+$0x400]  }
0x18b: {  	v27 =	vld [tilespmem:s2+$0x400]  }
0x18c: {  	v28 =	vld [tilespmem:s23+$0x400];
	_ =	sdelay $0x1  }
0x18d: {  	v25 =	vmul.f32 v25, v21  }
0x18e: {  	v26 =	vmul.f32 v26, v22;
	_ =	sdelay $0x1  }
0x18f: {  	v25 =	vadd.f32 v26, v25;
	v26 =	vmul.f32 v27, v23;
	_ =	sdelay $0x1  }
0x190: {  	v25 =	vadd.f32 v26, v25;
	v26 =	vmul.f32 v28, v24;
	_ =	sdelay $0x1  }
0x191: {  	v25 =	vadd.f32 v26, v25;
	_ =	sdelay $0x1  }
0x192: {  	[tilespmem:s26+$0x0] =	vst v25  }
0x193: {  	v25 =	vld [tilespmem:s2+$0xFFFFF410]  }
0x194: {  	v26 =	vld [tilespmem:s22+$0x410]  }
0x195: {  	v27 =	vld [tilespmem:s2+$0x410]  }
0x196: {  	v28 =	vld [tilespmem:s23+$0x410];
	_ =	sdelay $0x1  }
0x197: {  	v25 =	vmul.f32 v25, v21  }
0x198: {  	v26 =	vmul.f32 v26, v22;
	_ =	sdelay $0x1  }
0x199: {  	v25 =	vadd.f32 v26, v25;
	v26 =	vmul.f32 v27, v23;
	_ =	sdelay $0x1  }
0x19a: {  	v25 =	vadd.f32 v26, v25;
	v26 =	vmul.f32 v28, v24;
	_ =	sdelay $0x1  }
0x19b: {  	v25 =	vadd.f32 v26, v25;
	_ =	sdelay $0x1  }
0x19c: {  	[tilespmem:s26+$0x10] =	vst v25  }
0x19d: {  	v25 =	vld [tilespmem:s22+$0x420]  }
0x19e: {  	v26 =	vld [tilespmem:s2+$0xFFFFF420]  }
0x19f: {  	v27 =	vld [tilespmem:s2+$0x420]  }
0x1a0: {  	v28 =	vld [tilespmem:s23+$0x420];
	_ =	sdelay $0x1  }
0x1a1: {  	v25 =	vmul.f32 v25, v22  }
0x1a2: {  	v26 =	vmul.f32 v26, v21;
	_ =	sdelay $0x1  }
0x1a3: {  	v25 =	vadd.f32 v25, v26;
	v26 =	vmul.f32 v27, v23;
	_ =	sdelay $0x1  }
0x1a4: {  	v25 =	vadd.f32 v26, v25;
	v26 =	vmul.f32 v28, v24;
	_ =	sdelay $0x1  }
0x1a5: {  	v25 =	vadd.f32 v26, v25;
	_ =	sdelay $0x1  }
0x1a6: {  	[tilespmem:s26+$0x20] =	vst v25  }
0x1a7: {  	v25 =	vld [tilespmem:s2+$0xFFFFF430]  }
0x1a8: {  	v26 =	vld [tilespmem:s22+$0x430]  }
0x1a9: {  	v27 =	vld [tilespmem:s2+$0x430]  }
0x1aa: {  	v28 =	vld [tilespmem:s23+$0x430];
	_ =	sdelay $0x2  }
0x1ab: {  	v25 =	vmul.f32 v25, v21;
	v26 =	vmul.f32 v26, v22;
	_ =	sdelay $0x1  }
0x1ac: {  	v25 =	vadd.f32 v26, v25;
	v26 =	vmul.f32 v27, v23;
	_ =	sdelay $0x1  }
0x1ad: {  	v25 =	vadd.f32 v26, v25;
	v26 =	vmul.f32 v28, v24;
	_ =	sdelay $0x1  }
0x1ae: {  	v25 =	vadd.f32 v26, v25;
	_ =	sdelay $0x1  }
0x1af: {  	[tilespmem:s26+$0x30] =	vst v25  }
0x1b0: {  	v25 =	vld [tilespmem:s2+$0xFFFFF440]  }
0x1b1: {  	v26 =	vld [tilespmem:s22+$0x440]  }
0x1b2: {  	v27 =	vld [tilespmem:s2+$0x440]  }
0x1b3: {  	v28 =	vld [tilespmem:s23+$0x440];
	_ =	sdelay $0x1  }
0x1b4: {  	v25 =	vmul.f32 v25, v21  }
0x1b5: {  	v26 =	vmul.f32 v26, v22;
	_ =	sdelay $0x1  }
0x1b6: {  	v25 =	vadd.f32 v26, v25;
	v26 =	vmul.f32 v27, v23;
	_ =	sdelay $0x1  }
0x1b7: {  	v25 =	vadd.f32 v26, v25;
	v26 =	vmul.f32 v28, v24;
	_ =	sdelay $0x1  }
0x1b8: {  	v25 =	vadd.f32 v26, v25;
	_ =	sdelay $0x1  }
0x1b9: {  	[tilespmem:s26+$0x40] =	vst v25  }
0x1ba: {  	v25 =	vld [tilespmem:s2+$0xFFFFF450]  }
0x1bb: {  	v26 =	vld [tilespmem:s22+$0x450]  }
0x1bc: {  	v27 =	vld [tilespmem:s2+$0x450]  }
0x1bd: {  	v28 =	vld [tilespmem:s23+$0x450];
	_ =	sdelay $0x1  }
0x1be: {  	v25 =	vmul.f32 v25, v21  }
0x1bf: {  	v26 =	vmul.f32 v26, v22;
	_ =	sdelay $0x1  }
0x1c0: {  	v25 =	vadd.f32 v26, v25;
	v26 =	vmul.f32 v27, v23;
	_ =	sdelay $0x1  }
0x1c1: {  	v25 =	vadd.f32 v26, v25;
	v26 =	vmul.f32 v28, v24;
	_ =	sdelay $0x1  }
0x1c2: {  	v25 =	vadd.f32 v26, v25;
	_ =	sdelay $0x1  }
0x1c3: {  	[tilespmem:s26+$0x50] =	vst v25  }
0x1c4: {  	v25 =	vld [tilespmem:s2+$0xFFFFF460]  }
0x1c5: {  	v26 =	vld [tilespmem:s22+$0x460]  }
0x1c6: {  	v27 =	vld [tilespmem:s2+$0x460]  }
0x1c7: {  	v28 =	vld [tilespmem:s23+$0x460];
	_ =	sdelay $0x1  }
0x1c8: {  	v25 =	vmul.f32 v25, v21  }
0x1c9: {  	v26 =	vmul.f32 v26, v22  }
.Ltmp0:
0x1ca: {  	(pc) =	sbr.rel @p0 .LBB2_4-.Ltmp0, $3  }
0x1cb: {  	v25 =	vadd.f32 v26, v25;
	v26 =	vmul.f32 v27, v23;
	_ =	sdelay $0x1  }
0x1cc: {  	v25 =	vadd.f32 v26, v25;
	v26 =	vmul.f32 v28, v24  }
0x1cd: {  	s26 =	sadd.s32 $0x80, s26  }
0x1ce: {  	v17 =	vadd.f32 v26, v25;
	_ =	sdelay $0x1  }
0x1cf: {  	[tilespmem:s17+$0x60] =	vst v17  }
0x1d0: {  	v17 =	vld [tilespmem:s16+$0xFFFFF470]  }
0x1d1: {  	v18 =	vld [tilespmem:s22+$0x470];
	_ =	sdelay $0x1  }
0x1d2: {  	v19 =	vld [tilespmem:s16+$0x470];
	_ =	sdelay $0x1  }
0x1d3: {  	v20 =	vld [tilespmem:s23+$0x470]  }
0x1d4: {  	v17 =	vmul.f32 v17, v21;
	v18 =	vmul.f32 v18, v22;
	_ =	sdelay $0x1  }
0x1d5: {  	s18 =	sadd.s32 $0x1, s18;
	v17 =	vadd.f32 v18, v17;
	v18 =	vmul.f32 v19, v23  }
0x1d6: {  	p0 =	sne.s32 s18, $0x7  }
.Ltmp1:
0x1d7: {  	v17 =	vadd.f32 v18, v17;
	v18 =	vmul.f32 v20, v24;
	(pc) =	sbr.rel @p0 .LBB2_3-.Ltmp1, $3  }
0x1d8: {  	_ = 	snop  }
0x1d9: {  	v17 =	vadd.f32 v18, v17;
	_ =	sdelay $0x1  }
0x1da: {  	s29 =	sadd.s32 $0x2000, s29;
	s24 =	sadd.s32 $0x800, s24;
	[tilespmem:s17+$0x70] =	vst v17  }
0x1db: {  	s2 =	sadd.s32 s3, s14  }
0x1dc: {  	s14 =	sadd.s32 $0x1, s14;
	s2 =	smul.u32 $0x700, s2  }
0x1dd: {  	p0 =	sne.s32 s14, $0x20  }
.Ltmp2:
0x1de: {  	s2 =	sadd.s32 s5, s2;
	(pc) =	sbr.rel @p0 .LBB2_2-.Ltmp2, $4  }
0x1df: {  	[hbm4b:s2+s0] =	stream.linear.scatter [tilespmem:s13], [sflag:$0x2], $0x3800, $0x38;
	[tilespmem:$0x13800] =	vst v63  }
0x1e0: {  	_ =	swait.ge [sflag:s9], $0x3800  }
0x1e1: {  	[sflag:s9] =	ssyncset.done $0x0  }
0x1e2: {  	[sflag:s9] =	ssyncadd.s32 $0xFFFFC800  }
0x1e3: {  	s2 =	rddreg [dreg:$0x6]  }
0x1e4: {  	s0 =	rddreg [dreg:$0x5];
	s2 =	sadd.s32 $0x1, s2  }
0x1e5: {  	p0 =	sne.s32 s2, s0  }
.Ltmp3:
0x1e6: {  	_ = 	snop;
	(pc) =	sbr.rel @p0 .LBB2_1-.Ltmp3, $1  }
0x1e7: {  	_ =	sdelay $0x3  }
0x1e8: {  	_ =	sfence.sel $0x180000  }
0x1e9: {  	[bflag:$0x0] =	sbarrier.arrive $0xFFFF  }
0x1ea: {  	_ =	strace $0x90000047  }
0x1eb: {  	s0 =	stileid.u32;
	[bflag:$0x2] =	sbarrier.arrive $0xFFFF  }
0x1ec: {  	p0 =	sne.s32 s0, $0x0;
	s0 =	rddreg [dreg:$0x2]  }
0x1ed: {  	s0 =	sadd.s32 @!p0 $0x100000, s0  }
0x1ee: {  	[sflag:s0] =	ssyncadd.tile.s32 @!p0 $0x1;
	_ =	shalt  }
.Lfunc_end2:
_tile_overlayer_lowered:
.L_overlay_start_2:
0x1ef: {  	(tag) =	ssettag $0x2  }
0x1f0: {  	s0 =	rddreg [dreg:$0x0];
	s2 =	stileid.u32  }
0x1f1: {  	s1 =	rddreg [dreg:$0x1];
	p0 =	sne.s32 s2, $0x0  }
0x1f2: {  	s3 =	rddreg [dreg:$0x2];
	[bflag:$0x3] =	sbarrier.arrive $0xFFFF;
	s2 =	simm.s32 @!p0 $0x1C02  }
0x1f3: {  	[timem:s3], [sflag:s2] =	dma.local @!p0 [hbm:s0], s1  }
0x1f4: {  	s0 =	simm.s32 @!p0 $0x2  }
0x1f5: {  	_ =	swait.ge @!p0 [sflag:s0], s1  }
0x1f6: {  	s1 =	ssub.s32 @!p0 $0x0, s1;
	[sflag:s0] =	ssyncset.done @!p0 $0x0  }
0x1f7: {  	[sflag:s0] =	ssyncadd.s32 @!p0 s1  }
0x1f8: {  	[bflag:$0x3] =	sbarrier.arrive $0xFFFF  }
0x1f9: {  	_ =	shalt  }

</sc_bundles>
